<compile_context>
chip_gen: v7x
topology: tpu7x:2x2x1
jax: 0.10.2.dev20260603
libtpu: 0.0.44.dev20260713+nightly
codegen_flags: <defaults>
</compile_context>

<pallas_src>
import jax
import jax.numpy as jnp
from jax import lax
from jax.experimental import pallas as pl
from jax.experimental.pallas import tpu as pltpu
from jax.experimental.pallas import tpu_sc as plsc

B, H, W, P = 16, 512, 512, 20000
NROWS = 2 * B
PPAD = 20096
LANES = 16
NCH = 10
CH = P // NCH
IT = CH // LANES


def _gather_body(xa, ya, xb, yb, depth, out, xv, yv, idxv, valsv, sem):
    wid = lax.axis_index("s") * 2 + lax.axis_index("c")
    img = lax.rem(wid, B)
    base = img * (H * W)

    row = pl.ds(img * P, P)

    @pl.when(wid < B)
    def _():
        pltpu.sync_copy(xa.at[row], xv)
        pltpu.sync_copy(ya.at[row], yv)

    @pl.when(wid >= B)
    def _():
        pltpu.sync_copy(xb.at[row], xv)
        pltpu.sync_copy(yb.at[row], yv)

    gathers = []
    for k in range(NCH):
        def body(j, carry, _k=k):
            sl = pl.ds(_k * CH + j * LANES, LANES)
            idxv[sl] = (xv[sl] - 10) * W + (yv[sl] - 10) + base
            return carry

        lax.fori_loop(0, IT, body, 0)
        gathers.append(pltpu.async_copy(
            depth.at[idxv.at[pl.ds(k * CH, CH)]],
            valsv.at[pl.ds(k * CH, CH)], sem))
    for d in gathers:
        d.wait()
    pltpu.sync_copy(valsv, out.at[wid])


def _gather(xa, ya, xb, yb, depth):
    mesh = plsc.VectorSubcoreMesh(core_axis_name="c", subcore_axis_name="s")
    run = pl.kernel(
        _gather_body,
        mesh=mesh,
        out_type=jax.ShapeDtypeStruct((NROWS, PPAD), jnp.float32),
        scratch_types=[
            pltpu.VMEM((P,), jnp.int32),
            pltpu.VMEM((P,), jnp.int32),
            pltpu.VMEM((P,), jnp.int32),
            pltpu.VMEM((PPAD,), jnp.float32),
            pltpu.SemaphoreType.DMA,
        ],
    )
    return run(xa, ya, xb, yb, depth)


def _loss_body(vals_ref, t_ref, out_ref):
    z_a = vals_ref[0:B, 0:P]
    z_b = vals_ref[B:NROWS, 0:P]
    t = t_ref[...]
    pred = z_a - z_b
    mask = t != 0.0
    log_terms = jnp.where(mask, jnp.log1p(jnp.exp(-t * pred)), 0.0)
    sq_terms = jnp.where(mask, pred * pred, 0.0)
    cnt = jnp.sum(mask.astype(jnp.float32), axis=1)
    per_image = (jnp.sum(log_terms, axis=1) + jnp.sum(sq_terms, axis=1)) / cnt
    out_ref[...] = (jnp.sum(per_image) / jnp.float32(B)).reshape(1, 1)


def kernel(output, x_A, y_A, x_B, y_B, ordinal_relation):
    depth = output.reshape(B * H * W)
    vals = _gather(x_A.astype(jnp.int32).reshape(B * P),
                   y_A.astype(jnp.int32).reshape(B * P),
                   x_B.astype(jnp.int32).reshape(B * P),
                   y_B.astype(jnp.int32).reshape(B * P),
                   depth)
    loss = pl.pallas_call(
        _loss_body,
        out_shape=jax.ShapeDtypeStruct((1, 1), jnp.float32),
    )(vals, ordinal_relation.astype(jnp.float32))
    return loss[0, 0]

# --- scband reference (transcript-rebuilt; emitter-appended) ---
"""Pipeline reference for scband-relative-depth-loss-46454366274141 (READ-ONLY COPY).

The authoritative reference and input builder live on the scoring server;
editing this copy changes nothing except your own understanding.
"""

import jax, jax.numpy as jnp
import numpy as np

B, H, W, P = 16, 512, 512, 20000

def setup_inputs(seed: int = 0) -> dict:
    key = jax.random.key(seed)
    ks = jax.random.split(key, 6)
    output = jax.random.normal(ks[0], (B, 1, H, W), dtype=jnp.float32)
    # indices are offset by +10 in the data; forward subtracts 10, so sample in [10, H+10)
    x_A = jax.random.randint(ks[1], (B, P), 10, H + 10).astype(jnp.int64)
    y_A = jax.random.randint(ks[2], (B, P), 10, W + 10).astype(jnp.int64)
    x_B = jax.random.randint(ks[3], (B, P), 10, H + 10).astype(jnp.int64)
    y_B = jax.random.randint(ks[4], (B, P), 10, W + 10).astype(jnp.int64)
    # ordinal relation in {-1, 0, 1}
    ordinal_relation = (jax.random.randint(ks[5], (B, P), 0, 3) - 1).astype(jnp.float32)
    return {"output": output, "x_A": x_A, "y_A": y_A, "x_B": x_B, "y_B": y_B,
            "ordinal_relation": ordinal_relation}

def _ranking_loss(z_A, z_B, t):
    pred = z_A - z_B
    mask = t != 0
    cnt = jnp.sum(mask).astype(jnp.float32)
    # mean over masked elements, identical math to torch.mean(x[mask])
    log_loss = jnp.sum(jnp.where(mask, jnp.log1p(jnp.exp(-t * pred)), 0.0)) / cnt
    squared_loss = jnp.sum(jnp.where(mask, pred * pred, 0.0)) / cnt
    return log_loss + squared_loss

def reference(output, x_A, y_A, x_B, y_B, ordinal_relation):
    n = output.shape[0]
    total_loss = jnp.float32(0.0)
    for index in range(n):
        xa = x_A[index] - 10
        ya = y_A[index] - 10
        xb = x_B[index] - 10
        yb = y_B[index] - 10
        img = output[index][0]
        z_A = img[xa, ya]
        z_B = img[xb, yb]
        total_loss = total_loss + _ranking_loss(z_A, z_B, ordinal_relation[index])
    return total_loss / n

if __name__ == "__main__":
    import jax
    _d = setup_inputs()
    print(jax.jit(kernel)(*tuple(_d.values())))

</pallas_src>

<mosaic_0001>
#map = affine_map<(d0, d1) -> (0)>
#map1 = affine_map<(d0, d1) -> (0, 0)>
module attributes {stable_mosaic.version = 14 : i64} {
  func.func @_gather_body(%arg0: i32, %arg1: i32, %arg2: memref<320000xi32, #tpu.memory_space<hbm>>, %arg3: memref<320000xi32, #tpu.memory_space<hbm>>, %arg4: memref<320000xi32, #tpu.memory_space<hbm>>, %arg5: memref<320000xi32, #tpu.memory_space<hbm>>, %arg6: memref<4194304xf32, #tpu.memory_space<hbm>>, %arg7: memref<32x20096xf32, #tpu.memory_space<hbm>>, %arg8: memref<20000xi32, #tpu.memory_space<vmem>>, %arg9: memref<20000xi32, #tpu.memory_space<vmem>>, %arg10: memref<20000xi32, #tpu.memory_space<vmem>>, %arg11: memref<20096xf32, #tpu.memory_space<vmem>>, %arg12: memref<!tpu.dma_semaphore, #tpu.memory_space<semaphore_mem>>) attributes {dimension_semantics = [#tpu.dimension_semantics<core_parallel>, #tpu.dimension_semantics<subcore_parallel>], iteration_bounds = array<i64: 2, 16>, scalar_prefetch = 0 : i64, scratch_operands = 5 : i64, tpu.core_type = #tpu.core_type<sc_vector_subcore>, window_params = [{transform_indices = #map}, {transform_indices = #map}, {transform_indices = #map}, {transform_indices = #map}, {transform_indices = #map}, {transform_indices = #map1}]} {
    %mul3A = arith.constant 2 : i32
    %mul3A_0 = arith.muli %arg1, %mul3A : i32
    %add3A = arith.addi %mul3A_0, %arg0 : i32
    %rem3A = arith.constant 16 : i32
    %rem3A_1 = arith.remsi %add3A, %rem3A : i32
    %mul3A_2 = arith.constant 262144 : i32
    %mul3A_3 = arith.muli %rem3A_1, %mul3A_2 : i32
    %mul3A_4 = arith.constant 20000 : i32
    %mul3A_5 = arith.muli %rem3A_1, %mul3A_4 : i32
    %lt3A = arith.constant 16 : i32
    %lt3A_6 = arith.cmpi slt, %add3A, %lt3A : i32
    %convert_element_type3A = arith.extui %lt3A_6 : i1 to i32
    %cond3A = arith.constant 0 : i32
    %cond3A_7 = arith.cmpi ne, %convert_element_type3A, %cond3A : i32
    scf.if %cond3A_7 {
      "tpu.region"() ({
        %run_scoped3A = tpu.sem_alloc : memref<!tpu.dma_semaphore, #tpu.memory_space<semaphore_mem>>
        %dma_start3A_189 = tpu.memref_slice %arg2[%mul3A_5] : memref<320000xi32, #tpu.memory_space<hbm>> -> memref<20000xi32, #tpu.memory_space<hbm>>
        %dma_start3A_190 = tpu.memref_slice %arg2[%mul3A_5] : memref<320000xi32, #tpu.memory_space<hbm>> -> memref<20000xi32, #tpu.memory_space<hbm>>
        tpu.enqueue_dma source(%dma_start3A_190 : memref<20000xi32, #tpu.memory_space<hbm>>) target(%arg8 : memref<20000xi32, #tpu.memory_space<vmem>>) target_semaphore(%run_scoped3A : memref<!tpu.dma_semaphore, #tpu.memory_space<semaphore_mem>>)
        %dma_wait3A_191 = tpu.memref_slice %arg2[%mul3A_5] : memref<320000xi32, #tpu.memory_space<hbm>> -> memref<20000xi32, #tpu.memory_space<hbm>>
        %dma_wait3A_192 = tpu.memref_slice %arg2[%mul3A_5] : memref<320000xi32, #tpu.memory_space<hbm>> -> memref<20000xi32, #tpu.memory_space<hbm>>
        tpu.wait_dma2 semaphore(%run_scoped3A : memref<!tpu.dma_semaphore, #tpu.memory_space<semaphore_mem>>) src(%dma_wait3A_192 : memref<20000xi32, #tpu.memory_space<hbm>>) dst(%arg8 : memref<20000xi32, #tpu.memory_space<vmem>>)
        tpu.yield
      }) : () -> ()
      "tpu.region"() ({
        %run_scoped3A = tpu.sem_alloc : memref<!tpu.dma_semaphore, #tpu.memory_space<semaphore_mem>>
        %dma_start3A_189 = tpu.memref_slice %arg3[%mul3A_5] : memref<320000xi32, #tpu.memory_space<hbm>> -> memref<20000xi32, #tpu.memory_space<hbm>>
        %dma_start3A_190 = tpu.memref_slice %arg3[%mul3A_5] : memref<320000xi32, #tpu.memory_space<hbm>> -> memref<20000xi32, #tpu.memory_space<hbm>>
        tpu.enqueue_dma source(%dma_start3A_190 : memref<20000xi32, #tpu.memory_space<hbm>>) target(%arg9 : memref<20000xi32, #tpu.memory_space<vmem>>) target_semaphore(%run_scoped3A : memref<!tpu.dma_semaphore, #tpu.memory_space<semaphore_mem>>)
        %dma_wait3A_191 = tpu.memref_slice %arg3[%mul3A_5] : memref<320000xi32, #tpu.memory_space<hbm>> -> memref<20000xi32, #tpu.memory_space<hbm>>
        %dma_wait3A_192 = tpu.memref_slice %arg3[%mul3A_5] : memref<320000xi32, #tpu.memory_space<hbm>> -> memref<20000xi32, #tpu.memory_space<hbm>>
        tpu.wait_dma2 semaphore(%run_scoped3A : memref<!tpu.dma_semaphore, #tpu.memory_space<semaphore_mem>>) src(%dma_wait3A_192 : memref<20000xi32, #tpu.memory_space<hbm>>) dst(%arg9 : memref<20000xi32, #tpu.memory_space<vmem>>)
        tpu.yield
      }) : () -> ()
    } else {
    }
    %ge3A = arith.constant 16 : i32
    %ge3A_8 = arith.cmpi sge, %add3A, %ge3A : i32
    %convert_element_type3A_9 = arith.extui %ge3A_8 : i1 to i32
    %cond3A_10 = arith.constant 0 : i32
    %cond3A_11 = arith.cmpi ne, %convert_element_type3A_9, %cond3A_10 : i32
    scf.if %cond3A_11 {
      "tpu.region"() ({
        %run_scoped3A = tpu.sem_alloc : memref<!tpu.dma_semaphore, #tpu.memory_space<semaphore_mem>>
        %dma_start3A_189 = tpu.memref_slice %arg4[%mul3A_5] : memref<320000xi32, #tpu.memory_space<hbm>> -> memref<20000xi32, #tpu.memory_space<hbm>>
        %dma_start3A_190 = tpu.memref_slice %arg4[%mul3A_5] : memref<320000xi32, #tpu.memory_space<hbm>> -> memref<20000xi32, #tpu.memory_space<hbm>>
        tpu.enqueue_dma source(%dma_start3A_190 : memref<20000xi32, #tpu.memory_space<hbm>>) target(%arg8 : memref<20000xi32, #tpu.memory_space<vmem>>) target_semaphore(%run_scoped3A : memref<!tpu.dma_semaphore, #tpu.memory_space<semaphore_mem>>)
        %dma_wait3A_191 = tpu.memref_slice %arg4[%mul3A_5] : memref<320000xi32, #tpu.memory_space<hbm>> -> memref<20000xi32, #tpu.memory_space<hbm>>
        %dma_wait3A_192 = tpu.memref_slice %arg4[%mul3A_5] : memref<320000xi32, #tpu.memory_space<hbm>> -> memref<20000xi32, #tpu.memory_space<hbm>>
        tpu.wait_dma2 semaphore(%run_scoped3A : memref<!tpu.dma_semaphore, #tpu.memory_space<semaphore_mem>>) src(%dma_wait3A_192 : memref<20000xi32, #tpu.memory_space<hbm>>) dst(%arg8 : memref<20000xi32, #tpu.memory_space<vmem>>)
        tpu.yield
      }) : () -> ()
      "tpu.region"() ({
        %run_scoped3A = tpu.sem_alloc : memref<!tpu.dma_semaphore, #tpu.memory_space<semaphore_mem>>
        %dma_start3A_189 = tpu.memref_slice %arg5[%mul3A_5] : memref<320000xi32, #tpu.memory_space<hbm>> -> memref<20000xi32, #tpu.memory_space<hbm>>
        %dma_start3A_190 = tpu.memref_slice %arg5[%mul3A_5] : memref<320000xi32, #tpu.memory_space<hbm>> -> memref<20000xi32, #tpu.memory_space<hbm>>
        tpu.enqueue_dma source(%dma_start3A_190 : memref<20000xi32, #tpu.memory_space<hbm>>) target(%arg9 : memref<20000xi32, #tpu.memory_space<vmem>>) target_semaphore(%run_scoped3A : memref<!tpu.dma_semaphore, #tpu.memory_space<semaphore_mem>>)
        %dma_wait3A_191 = tpu.memref_slice %arg5[%mul3A_5] : memref<320000xi32, #tpu.memory_space<hbm>> -> memref<20000xi32, #tpu.memory_space<hbm>>
        %dma_wait3A_192 = tpu.memref_slice %arg5[%mul3A_5] : memref<320000xi32, #tpu.memory_space<hbm>> -> memref<20000xi32, #tpu.memory_space<hbm>>
        tpu.wait_dma2 semaphore(%run_scoped3A : memref<!tpu.dma_semaphore, #tpu.memory_space<semaphore_mem>>) src(%dma_wait3A_192 : memref<20000xi32, #tpu.memory_space<hbm>>) dst(%arg9 : memref<20000xi32, #tpu.memory_space<vmem>>)
        tpu.yield
      }) : () -> ()
    } else {
    }
    %scan3A = arith.constant 0 : i32
    %scan3A_12 = arith.constant 0 : i32
    %scan3A_13 = arith.constant 125 : i32
    %scan3A_14 = arith.addi %scan3A_12, %scan3A_13 : i32
    %scan3A_15 = arith.constant 1 : i32
    scf.for %scan3A_189 = %scan3A_12 to %scan3A_14 step %scan3A_15  : i32 {
      %mul3A_190 = arith.constant 16 : i32
      %mul3A_191 = arith.muli %scan3A_189, %mul3A_190 : i32
      %add3A_192 = arith.constant 0 : i32
      %add3A_193 = arith.addi %add3A_192, %mul3A_191 : i32
      %get3A = arith.index_cast %add3A_193 : i32 to index
      %get3A_194 = tpu.vector_load %arg8[%get3A] {strides = array<i32>} : memref<20000xi32, #tpu.memory_space<vmem>>, vector<16xi32>,
      %get3A_195 = vector.shape_cast %get3A_194 : vector<16xi32> to vector<16xi32>
      %sub3A = arith.constant 10 : i32
      %sub3A_196 = vector.broadcast %sub3A : i32 to vector<16xi32>
      %sub3A_197 = arith.subi %get3A_195, %sub3A_196 : vector<16xi32>
      %mul3A_198 = arith.constant 512 : i32
      %mul3A_199 = vector.broadcast %mul3A_198 : i32 to vector<16xi32>
      %mul3A_200 = arith.muli %sub3A_197, %mul3A_199 : vector<16xi32>
      %get3A_201 = arith.index_cast %add3A_193 : i32 to index
      %get3A_202 = tpu.vector_load %arg9[%get3A_201] {strides = array<i32>} : memref<20000xi32, #tpu.memory_space<vmem>>, vector<16xi32>,
      %get3A_203 = vector.shape_cast %get3A_202 : vector<16xi32> to vector<16xi32>
      %sub3A_204 = arith.constant 10 : i32
      %sub3A_205 = vector.broadcast %sub3A_204 : i32 to vector<16xi32>
      %sub3A_206 = arith.subi %get3A_203, %sub3A_205 : vector<16xi32>
      %add3A_207 = arith.addi %mul3A_200, %sub3A_206 : vector<16xi32>
      %add3A_208 = vector.broadcast %mul3A_3 : i32 to vector<16xi32>
      %add3A_209 = arith.addi %add3A_207, %add3A_208 : vector<16xi32>
      %swap3A = arith.index_cast %add3A_193 : i32 to index
      %swap3A_210 = tpu.vector_load %arg10[%swap3A] {strides = array<i32>} : memref<20000xi32, #tpu.memory_space<vmem>>, vector<16xi32>,
      %swap3A_211 = vector.shape_cast %swap3A_210 : vector<16xi32> to vector<16xi32>
      %swap3A_212 = vector.shape_cast %add3A_209 : vector<16xi32> to vector<16xi32>
      tpu.vector_store %arg10[%swap3A], %swap3A_212 {strides = array<i32>} : memref<20000xi32, #tpu.memory_space<vmem>>, vector<16xi32>,
    }
    %scan3A_16 = arith.constant 125 : i32
    %dma_start3A = arith.constant 0 : i32
    %dma_start3A_17 = tpu.memref_slice %arg11[%dma_start3A] : memref<20096xf32, #tpu.memory_space<vmem>> -> memref<2000xf32, #tpu.memory_space<vmem>>
    %dma_start3A_18 = arith.constant 0 : i32
    %dma_start3A_19 = tpu.memref_slice %arg10[%dma_start3A_18] : memref<20000xi32, #tpu.memory_space<vmem>> -> memref<2000xi32, #tpu.memory_space<vmem>>
    %dma_start3A_20 = arith.constant 0 : i32
    %dma_start3A_21 = tpu.memref_slice %arg6[%dma_start3A_20] : memref<4194304xf32, #tpu.memory_space<hbm>> -> memref<4194304xf32, #tpu.memory_space<hbm>>
    tpu.enqueue_indirect_dma source(%dma_start3A_21 : memref<4194304xf32, #tpu.memory_space<hbm>>) target(%dma_start3A_17 : memref<2000xf32, #tpu.memory_space<vmem>>) offsets(%dma_start3A_19 : memref<2000xi32, #tpu.memory_space<vmem>>) semaphore(%arg12 : memref<!tpu.dma_semaphore, #tpu.memory_space<semaphore_mem>>)
    %scan3A_22 = arith.constant 0 : i32
    %scan3A_23 = arith.constant 0 : i32
    %scan3A_24 = arith.constant 125 : i32
    %scan3A_25 = arith.addi %scan3A_23, %scan3A_24 : i32
    %scan3A_26 = arith.constant 1 : i32
    scf.for %scan3A_189 = %scan3A_23 to %scan3A_25 step %scan3A_26  : i32 {
      %mul3A_190 = arith.constant 16 : i32
      %mul3A_191 = arith.muli %scan3A_189, %mul3A_190 : i32
      %add3A_192 = arith.constant 2000 : i32
      %add3A_193 = arith.addi %add3A_192, %mul3A_191 : i32
      %get3A = arith.index_cast %add3A_193 : i32 to index
      %get3A_194 = tpu.vector_load %arg8[%get3A] {strides = array<i32>} : memref<20000xi32, #tpu.memory_space<vmem>>, vector<16xi32>,
      %get3A_195 = vector.shape_cast %get3A_194 : vector<16xi32> to vector<16xi32>
      %sub3A = arith.constant 10 : i32
      %sub3A_196 = vector.broadcast %sub3A : i32 to vector<16xi32>
      %sub3A_197 = arith.subi %get3A_195, %sub3A_196 : vector<16xi32>
      %mul3A_198 = arith.constant 512 : i32
      %mul3A_199 = vector.broadcast %mul3A_198 : i32 to vector<16xi32>
      %mul3A_200 = arith.muli %sub3A_197, %mul3A_199 : vector<16xi32>
      %get3A_201 = arith.index_cast %add3A_193 : i32 to index
      %get3A_202 = tpu.vector_load %arg9[%get3A_201] {strides = array<i32>} : memref<20000xi32, #tpu.memory_space<vmem>>, vector<16xi32>,
      %get3A_203 = vector.shape_cast %get3A_202 : vector<16xi32> to vector<16xi32>
      %sub3A_204 = arith.constant 10 : i32
      %sub3A_205 = vector.broadcast %sub3A_204 : i32 to vector<16xi32>
      %sub3A_206 = arith.subi %get3A_203, %sub3A_205 : vector<16xi32>
      %add3A_207 = arith.addi %mul3A_200, %sub3A_206 : vector<16xi32>
      %add3A_208 = vector.broadcast %mul3A_3 : i32 to vector<16xi32>
      %add3A_209 = arith.addi %add3A_207, %add3A_208 : vector<16xi32>
      %swap3A = arith.index_cast %add3A_193 : i32 to index
      %swap3A_210 = tpu.vector_load %arg10[%swap3A] {strides = array<i32>} : memref<20000xi32, #tpu.memory_space<vmem>>, vector<16xi32>,
      %swap3A_211 = vector.shape_cast %swap3A_210 : vector<16xi32> to vector<16xi32>
      %swap3A_212 = vector.shape_cast %add3A_209 : vector<16xi32> to vector<16xi32>
      tpu.vector_store %arg10[%swap3A], %swap3A_212 {strides = array<i32>} : memref<20000xi32, #tpu.memory_space<vmem>>, vector<16xi32>,
    }
    %scan3A_27 = arith.constant 125 : i32
    %dma_start3A_28 = arith.constant 2000 : i32
    %dma_start3A_29 = tpu.memref_slice %arg11[%dma_start3A_28] : memref<20096xf32, #tpu.memory_space<vmem>> -> memref<2000xf32, #tpu.memory_space<vmem>>
    %dma_start3A_30 = arith.constant 2000 : i32
    %dma_start3A_31 = tpu.memref_slice %arg10[%dma_start3A_30] : memref<20000xi32, #tpu.memory_space<vmem>> -> memref<2000xi32, #tpu.memory_space<vmem>>
    %dma_start3A_32 = arith.constant 0 : i32
    %dma_start3A_33 = tpu.memref_slice %arg6[%dma_start3A_32] : memref<4194304xf32, #tpu.memory_space<hbm>> -> memref<4194304xf32, #tpu.memory_space<hbm>>
    tpu.enqueue_indirect_dma source(%dma_start3A_33 : memref<4194304xf32, #tpu.memory_space<hbm>>) target(%dma_start3A_29 : memref<2000xf32, #tpu.memory_space<vmem>>) offsets(%dma_start3A_31 : memref<2000xi32, #tpu.memory_space<vmem>>) semaphore(%arg12 : memref<!tpu.dma_semaphore, #tpu.memory_space<semaphore_mem>>)
    %scan3A_34 = arith.constant 0 : i32
    %scan3A_35 = arith.constant 0 : i32
    %scan3A_36 = arith.constant 125 : i32
    %scan3A_37 = arith.addi %scan3A_35, %scan3A_36 : i32
    %scan3A_38 = arith.constant 1 : i32
    scf.for %scan3A_189 = %scan3A_35 to %scan3A_37 step %scan3A_38  : i32 {
      %mul3A_190 = arith.constant 16 : i32
      %mul3A_191 = arith.muli %scan3A_189, %mul3A_190 : i32
      %add3A_192 = arith.constant 4000 : i32
      %add3A_193 = arith.addi %add3A_192, %mul3A_191 : i32
      %get3A = arith.index_cast %add3A_193 : i32 to index
      %get3A_194 = tpu.vector_load %arg8[%get3A] {strides = array<i32>} : memref<20000xi32, #tpu.memory_space<vmem>>, vector<16xi32>,
      %get3A_195 = vector.shape_cast %get3A_194 : vector<16xi32> to vector<16xi32>
      %sub3A = arith.constant 10 : i32
      %sub3A_196 = vector.broadcast %sub3A : i32 to vector<16xi32>
      %sub3A_197 = arith.subi %get3A_195, %sub3A_196 : vector<16xi32>
      %mul3A_198 = arith.constant 512 : i32
      %mul3A_199 = vector.broadcast %mul3A_198 : i32 to vector<16xi32>
      %mul3A_200 = arith.muli %sub3A_197, %mul3A_199 : vector<16xi32>
      %get3A_201 = arith.index_cast %add3A_193 : i32 to index
      %get3A_202 = tpu.vector_load %arg9[%get3A_201] {strides = array<i32>} : memref<20000xi32, #tpu.memory_space<vmem>>, vector<16xi32>,
      %get3A_203 = vector.shape_cast %get3A_202 : vector<16xi32> to vector<16xi32>
      %sub3A_204 = arith.constant 10 : i32
      %sub3A_205 = vector.broadcast %sub3A_204 : i32 to vector<16xi32>
      %sub3A_206 = arith.subi %get3A_203, %sub3A_205 : vector<16xi32>
      %add3A_207 = arith.addi %mul3A_200, %sub3A_206 : vector<16xi32>
      %add3A_208 = vector.broadcast %mul3A_3 : i32 to vector<16xi32>
      %add3A_209 = arith.addi %add3A_207, %add3A_208 : vector<16xi32>
      %swap3A = arith.index_cast %add3A_193 : i32 to index
      %swap3A_210 = tpu.vector_load %arg10[%swap3A] {strides = array<i32>} : memref<20000xi32, #tpu.memory_space<vmem>>, vector<16xi32>,
      %swap3A_211 = vector.shape_cast %swap3A_210 : vector<16xi32> to vector<16xi32>
      %swap3A_212 = vector.shape_cast %add3A_209 : vector<16xi32> to vector<16xi32>
      tpu.vector_store %arg10[%swap3A], %swap3A_212 {strides = array<i32>} : memref<20000xi32, #tpu.memory_space<vmem>>, vector<16xi32>,
    }
    %scan3A_39 = arith.constant 125 : i32
    %dma_start3A_40 = arith.constant 4000 : i32
    %dma_start3A_41 = tpu.memref_slice %arg11[%dma_start3A_40] : memref<20096xf32, #tpu.memory_space<vmem>> -> memref<2000xf32, #tpu.memory_space<vmem>>
    %dma_start3A_42 = arith.constant 4000 : i32
    %dma_start3A_43 = tpu.memref_slice %arg10[%dma_start3A_42] : memref<20000xi32, #tpu.memory_space<vmem>> -> memref<2000xi32, #tpu.memory_space<vmem>>
    %dma_start3A_44 = arith.constant 0 : i32
    %dma_start3A_45 = tpu.memref_slice %arg6[%dma_start3A_44] : memref<4194304xf32, #tpu.memory_space<hbm>> -> memref<4194304xf32, #tpu.memory_space<hbm>>
    tpu.enqueue_indirect_dma source(%dma_start3A_45 : memref<4194304xf32, #tpu.memory_space<hbm>>) target(%dma_start3A_41 : memref<2000xf32, #tpu.memory_space<vmem>>) offsets(%dma_start3A_43 : memref<2000xi32, #tpu.memory_space<vmem>>) semaphore(%arg12 : memref<!tpu.dma_semaphore, #tpu.memory_space<semaphore_mem>>)
    %scan3A_46 = arith.constant 0 : i32
    %scan3A_47 = arith.constant 0 : i32
    %scan3A_48 = arith.constant 125 : i32
    %scan3A_49 = arith.addi %scan3A_47, %scan3A_48 : i32
    %scan3A_50 = arith.constant 1 : i32
    scf.for %scan3A_189 = %scan3A_47 to %scan3A_49 step %scan3A_50  : i32 {
      %mul3A_190 = arith.constant 16 : i32
      %mul3A_191 = arith.muli %scan3A_189, %mul3A_190 : i32
      %add3A_192 = arith.constant 6000 : i32
      %add3A_193 = arith.addi %add3A_192, %mul3A_191 : i32
      %get3A = arith.index_cast %add3A_193 : i32 to index
      %get3A_194 = tpu.vector_load %arg8[%get3A] {strides = array<i32>} : memref<20000xi32, #tpu.memory_space<vmem>>, vector<16xi32>,
      %get3A_195 = vector.shape_cast %get3A_194 : vector<16xi32> to vector<16xi32>
      %sub3A = arith.constant 10 : i32
      %sub3A_196 = vector.broadcast %sub3A : i32 to vector<16xi32>
      %sub3A_197 = arith.subi %get3A_195, %sub3A_196 : vector<16xi32>
      %mul3A_198 = arith.constant 512 : i32
      %mul3A_199 = vector.broadcast %mul3A_198 : i32 to vector<16xi32>
      %mul3A_200 = arith.muli %sub3A_197, %mul3A_199 : vector<16xi32>
      %get3A_201 = arith.index_cast %add3A_193 : i32 to index
      %get3A_202 = tpu.vector_load %arg9[%get3A_201] {strides = array<i32>} : memref<20000xi32, #tpu.memory_space<vmem>>, vector<16xi32>,
      %get3A_203 = vector.shape_cast %get3A_202 : vector<16xi32> to vector<16xi32>
      %sub3A_204 = arith.constant 10 : i32
      %sub3A_205 = vector.broadcast %sub3A_204 : i32 to vector<16xi32>
      %sub3A_206 = arith.subi %get3A_203, %sub3A_205 : vector<16xi32>
      %add3A_207 = arith.addi %mul3A_200, %sub3A_206 : vector<16xi32>
      %add3A_208 = vector.broadcast %mul3A_3 : i32 to vector<16xi32>
      %add3A_209 = arith.addi %add3A_207, %add3A_208 : vector<16xi32>
      %swap3A = arith.index_cast %add3A_193 : i32 to index
      %swap3A_210 = tpu.vector_load %arg10[%swap3A] {strides = array<i32>} : memref<20000xi32, #tpu.memory_space<vmem>>, vector<16xi32>,
      %swap3A_211 = vector.shape_cast %swap3A_210 : vector<16xi32> to vector<16xi32>
      %swap3A_212 = vector.shape_cast %add3A_209 : vector<16xi32> to vector<16xi32>
      tpu.vector_store %arg10[%swap3A], %swap3A_212 {strides = array<i32>} : memref<20000xi32, #tpu.memory_space<vmem>>, vector<16xi32>,
    }
    %scan3A_51 = arith.constant 125 : i32
    %dma_start3A_52 = arith.constant 6000 : i32
    %dma_start3A_53 = tpu.memref_slice %arg11[%dma_start3A_52] : memref<20096xf32, #tpu.memory_space<vmem>> -> memref<2000xf32, #tpu.memory_space<vmem>>
    %dma_start3A_54 = arith.constant 6000 : i32
    %dma_start3A_55 = tpu.memref_slice %arg10[%dma_start3A_54] : memref<20000xi32, #tpu.memory_space<vmem>> -> memref<2000xi32, #tpu.memory_space<vmem>>
    %dma_start3A_56 = arith.constant 0 : i32
    %dma_start3A_57 = tpu.memref_slice %arg6[%dma_start3A_56] : memref<4194304xf32, #tpu.memory_space<hbm>> -> memref<4194304xf32, #tpu.memory_space<hbm>>
    tpu.enqueue_indirect_dma source(%dma_start3A_57 : memref<4194304xf32, #tpu.memory_space<hbm>>) target(%dma_start3A_53 : memref<2000xf32, #tpu.memory_space<vmem>>) offsets(%dma_start3A_55 : memref<2000xi32, #tpu.memory_space<vmem>>) semaphore(%arg12 : memref<!tpu.dma_semaphore, #tpu.memory_space<semaphore_mem>>)
    %scan3A_58 = arith.constant 0 : i32
    %scan3A_59 = arith.constant 0 : i32
    %scan3A_60 = arith.constant 125 : i32
    %scan3A_61 = arith.addi %scan3A_59, %scan3A_60 : i32
    %scan3A_62 = arith.constant 1 : i32
    scf.for %scan3A_189 = %scan3A_59 to %scan3A_61 step %scan3A_62  : i32 {
      %mul3A_190 = arith.constant 16 : i32
      %mul3A_191 = arith.muli %scan3A_189, %mul3A_190 : i32
      %add3A_192 = arith.constant 8000 : i32
      %add3A_193 = arith.addi %add3A_192, %mul3A_191 : i32
      %get3A = arith.index_cast %add3A_193 : i32 to index
      %get3A_194 = tpu.vector_load %arg8[%get3A] {strides = array<i32>} : memref<20000xi32, #tpu.memory_space<vmem>>, vector<16xi32>,
      %get3A_195 = vector.shape_cast %get3A_194 : vector<16xi32> to vector<16xi32>
      %sub3A = arith.constant 10 : i32
      %sub3A_196 = vector.broadcast %sub3A : i32 to vector<16xi32>
      %sub3A_197 = arith.subi %get3A_195, %sub3A_196 : vector<16xi32>
      %mul3A_198 = arith.constant 512 : i32
      %mul3A_199 = vector.broadcast %mul3A_198 : i32 to vector<16xi32>
      %mul3A_200 = arith.muli %sub3A_197, %mul3A_199 : vector<16xi32>
      %get3A_201 = arith.index_cast %add3A_193 : i32 to index
      %get3A_202 = tpu.vector_load %arg9[%get3A_201] {strides = array<i32>} : memref<20000xi32, #tpu.memory_space<vmem>>, vector<16xi32>,
      %get3A_203 = vector.shape_cast %get3A_202 : vector<16xi32> to vector<16xi32>
      %sub3A_204 = arith.constant 10 : i32
      %sub3A_205 = vector.broadcast %sub3A_204 : i32 to vector<16xi32>
      %sub3A_206 = arith.subi %get3A_203, %sub3A_205 : vector<16xi32>
      %add3A_207 = arith.addi %mul3A_200, %sub3A_206 : vector<16xi32>
      %add3A_208 = vector.broadcast %mul3A_3 : i32 to vector<16xi32>
      %add3A_209 = arith.addi %add3A_207, %add3A_208 : vector<16xi32>
      %swap3A = arith.index_cast %add3A_193 : i32 to index
      %swap3A_210 = tpu.vector_load %arg10[%swap3A] {strides = array<i32>} : memref<20000xi32, #tpu.memory_space<vmem>>, vector<16xi32>,
      %swap3A_211 = vector.shape_cast %swap3A_210 : vector<16xi32> to vector<16xi32>
      %swap3A_212 = vector.shape_cast %add3A_209 : vector<16xi32> to vector<16xi32>
      tpu.vector_store %arg10[%swap3A], %swap3A_212 {strides = array<i32>} : memref<20000xi32, #tpu.memory_space<vmem>>, vector<16xi32>,
    }
    %scan3A_63 = arith.constant 125 : i32
    %dma_start3A_64 = arith.constant 8000 : i32
    %dma_start3A_65 = tpu.memref_slice %arg11[%dma_start3A_64] : memref<20096xf32, #tpu.memory_space<vmem>> -> memref<2000xf32, #tpu.memory_space<vmem>>
    %dma_start3A_66 = arith.constant 8000 : i32
    %dma_start3A_67 = tpu.memref_slice %arg10[%dma_start3A_66] : memref<20000xi32, #tpu.memory_space<vmem>> -> memref<2000xi32, #tpu.memory_space<vmem>>
    %dma_start3A_68 = arith.constant 0 : i32
    %dma_start3A_69 = tpu.memref_slice %arg6[%dma_start3A_68] : memref<4194304xf32, #tpu.memory_space<hbm>> -> memref<4194304xf32, #tpu.memory_space<hbm>>
    tpu.enqueue_indirect_dma source(%dma_start3A_69 : memref<4194304xf32, #tpu.memory_space<hbm>>) target(%dma_start3A_65 : memref<2000xf32, #tpu.memory_space<vmem>>) offsets(%dma_start3A_67 : memref<2000xi32, #tpu.memory_space<vmem>>) semaphore(%arg12 : memref<!tpu.dma_semaphore, #tpu.memory_space<semaphore_mem>>)
    %scan3A_70 = arith.constant 0 : i32
    %scan3A_71 = arith.constant 0 : i32
    %scan3A_72 = arith.constant 125 : i32
    %scan3A_73 = arith.addi %scan3A_71, %scan3A_72 : i32
    %scan3A_74 = arith.constant 1 : i32
    scf.for %scan3A_189 = %scan3A_71 to %scan3A_73 step %scan3A_74  : i32 {
      %mul3A_190 = arith.constant 16 : i32
      %mul3A_191 = arith.muli %scan3A_189, %mul3A_190 : i32
      %add3A_192 = arith.constant 10000 : i32
      %add3A_193 = arith.addi %add3A_192, %mul3A_191 : i32
      %get3A = arith.index_cast %add3A_193 : i32 to index
      %get3A_194 = tpu.vector_load %arg8[%get3A] {strides = array<i32>} : memref<20000xi32, #tpu.memory_space<vmem>>, vector<16xi32>,
      %get3A_195 = vector.shape_cast %get3A_194 : vector<16xi32> to vector<16xi32>
      %sub3A = arith.constant 10 : i32
      %sub3A_196 = vector.broadcast %sub3A : i32 to vector<16xi32>
      %sub3A_197 = arith.subi %get3A_195, %sub3A_196 : vector<16xi32>
      %mul3A_198 = arith.constant 512 : i32
      %mul3A_199 = vector.broadcast %mul3A_198 : i32 to vector<16xi32>
      %mul3A_200 = arith.muli %sub3A_197, %mul3A_199 : vector<16xi32>
      %get3A_201 = arith.index_cast %add3A_193 : i32 to index
      %get3A_202 = tpu.vector_load %arg9[%get3A_201] {strides = array<i32>} : memref<20000xi32, #tpu.memory_space<vmem>>, vector<16xi32>,
      %get3A_203 = vector.shape_cast %get3A_202 : vector<16xi32> to vector<16xi32>
      %sub3A_204 = arith.constant 10 : i32
      %sub3A_205 = vector.broadcast %sub3A_204 : i32 to vector<16xi32>
      %sub3A_206 = arith.subi %get3A_203, %sub3A_205 : vector<16xi32>
      %add3A_207 = arith.addi %mul3A_200, %sub3A_206 : vector<16xi32>
      %add3A_208 = vector.broadcast %mul3A_3 : i32 to vector<16xi32>
      %add3A_209 = arith.addi %add3A_207, %add3A_208 : vector<16xi32>
      %swap3A = arith.index_cast %add3A_193 : i32 to index
      %swap3A_210 = tpu.vector_load %arg10[%swap3A] {strides = array<i32>} : memref<20000xi32, #tpu.memory_space<vmem>>, vector<16xi32>,
      %swap3A_211 = vector.shape_cast %swap3A_210 : vector<16xi32> to vector<16xi32>
      %swap3A_212 = vector.shape_cast %add3A_209 : vector<16xi32> to vector<16xi32>
      tpu.vector_store %arg10[%swap3A], %swap3A_212 {strides = array<i32>} : memref<20000xi32, #tpu.memory_space<vmem>>, vector<16xi32>,
    }
    %scan3A_75 = arith.constant 125 : i32
    %dma_start3A_76 = arith.constant 10000 : i32
    %dma_start3A_77 = tpu.memref_slice %arg11[%dma_start3A_76] : memref<20096xf32, #tpu.memory_space<vmem>> -> memref<2000xf32, #tpu.memory_space<vmem>>
    %dma_start3A_78 = arith.constant 10000 : i32
    %dma_start3A_79 = tpu.memref_slice %arg10[%dma_start3A_78] : memref<20000xi32, #tpu.memory_space<vmem>> -> memref<2000xi32, #tpu.memory_space<vmem>>
    %dma_start3A_80 = arith.constant 0 : i32
    %dma_start3A_81 = tpu.memref_slice %arg6[%dma_start3A_80] : memref<4194304xf32, #tpu.memory_space<hbm>> -> memref<4194304xf32, #tpu.memory_space<hbm>>
    tpu.enqueue_indirect_dma source(%dma_start3A_81 : memref<4194304xf32, #tpu.memory_space<hbm>>) target(%dma_start3A_77 : memref<2000xf32, #tpu.memory_space<vmem>>) offsets(%dma_start3A_79 : memref<2000xi32, #tpu.memory_space<vmem>>) semaphore(%arg12 : memref<!tpu.dma_semaphore, #tpu.memory_space<semaphore_mem>>)
    %scan3A_82 = arith.constant 0 : i32
    %scan3A_83 = arith.constant 0 : i32
    %scan3A_84 = arith.constant 125 : i32
    %scan3A_85 = arith.addi %scan3A_83, %scan3A_84 : i32
    %scan3A_86 = arith.constant 1 : i32
    scf.for %scan3A_189 = %scan3A_83 to %scan3A_85 step %scan3A_86  : i32 {
      %mul3A_190 = arith.constant 16 : i32
      %mul3A_191 = arith.muli %scan3A_189, %mul3A_190 : i32
      %add3A_192 = arith.constant 12000 : i32
      %add3A_193 = arith.addi %add3A_192, %mul3A_191 : i32
      %get3A = arith.index_cast %add3A_193 : i32 to index
      %get3A_194 = tpu.vector_load %arg8[%get3A] {strides = array<i32>} : memref<20000xi32, #tpu.memory_space<vmem>>, vector<16xi32>,
      %get3A_195 = vector.shape_cast %get3A_194 : vector<16xi32> to vector<16xi32>
      %sub3A = arith.constant 10 : i32
      %sub3A_196 = vector.broadcast %sub3A : i32 to vector<16xi32>
      %sub3A_197 = arith.subi %get3A_195, %sub3A_196 : vector<16xi32>
      %mul3A_198 = arith.constant 512 : i32
      %mul3A_199 = vector.broadcast %mul3A_198 : i32 to vector<16xi32>
      %mul3A_200 = arith.muli %sub3A_197, %mul3A_199 : vector<16xi32>
      %get3A_201 = arith.index_cast %add3A_193 : i32 to index
      %get3A_202 = tpu.vector_load %arg9[%get3A_201] {strides = array<i32>} : memref<20000xi32, #tpu.memory_space<vmem>>, vector<16xi32>,
      %get3A_203 = vector.shape_cast %get3A_202 : vector<16xi32> to vector<16xi32>
      %sub3A_204 = arith.constant 10 : i32
      %sub3A_205 = vector.broadcast %sub3A_204 : i32 to vector<16xi32>
      %sub3A_206 = arith.subi %get3A_203, %sub3A_205 : vector<16xi32>
      %add3A_207 = arith.addi %mul3A_200, %sub3A_206 : vector<16xi32>
      %add3A_208 = vector.broadcast %mul3A_3 : i32 to vector<16xi32>
      %add3A_209 = arith.addi %add3A_207, %add3A_208 : vector<16xi32>
      %swap3A = arith.index_cast %add3A_193 : i32 to index
      %swap3A_210 = tpu.vector_load %arg10[%swap3A] {strides = array<i32>} : memref<20000xi32, #tpu.memory_space<vmem>>, vector<16xi32>,
      %swap3A_211 = vector.shape_cast %swap3A_210 : vector<16xi32> to vector<16xi32>
      %swap3A_212 = vector.shape_cast %add3A_209 : vector<16xi32> to vector<16xi32>
      tpu.vector_store %arg10[%swap3A], %swap3A_212 {strides = array<i32>} : memref<20000xi32, #tpu.memory_space<vmem>>, vector<16xi32>,
    }
    %scan3A_87 = arith.constant 125 : i32
    %dma_start3A_88 = arith.constant 12000 : i32
    %dma_start3A_89 = tpu.memref_slice %arg11[%dma_start3A_88] : memref<20096xf32, #tpu.memory_space<vmem>> -> memref<2000xf32, #tpu.memory_space<vmem>>
    %dma_start3A_90 = arith.constant 12000 : i32
    %dma_start3A_91 = tpu.memref_slice %arg10[%dma_start3A_90] : memref<20000xi32, #tpu.memory_space<vmem>> -> memref<2000xi32, #tpu.memory_space<vmem>>
    %dma_start3A_92 = arith.constant 0 : i32
    %dma_start3A_93 = tpu.memref_slice %arg6[%dma_start3A_92] : memref<4194304xf32, #tpu.memory_space<hbm>> -> memref<4194304xf32, #tpu.memory_space<hbm>>
    tpu.enqueue_indirect_dma source(%dma_start3A_93 : memref<4194304xf32, #tpu.memory_space<hbm>>) target(%dma_start3A_89 : memref<2000xf32, #tpu.memory_space<vmem>>) offsets(%dma_start3A_91 : memref<2000xi32, #tpu.memory_space<vmem>>) semaphore(%arg12 : memref<!tpu.dma_semaphore, #tpu.memory_space<semaphore_mem>>)
    %scan3A_94 = arith.constant 0 : i32
    %scan3A_95 = arith.constant 0 : i32
    %scan3A_96 = arith.constant 125 : i32
    %scan3A_97 = arith.addi %scan3A_95, %scan3A_96 : i32
    %scan3A_98 = arith.constant 1 : i32
    scf.for %scan3A_189 = %scan3A_95 to %scan3A_97 step %scan3A_98  : i32 {
      %mul3A_190 = arith.constant 16 : i32
      %mul3A_191 = arith.muli %scan3A_189, %mul3A_190 : i32
      %add3A_192 = arith.constant 14000 : i32
      %add3A_193 = arith.addi %add3A_192, %mul3A_191 : i32
      %get3A = arith.index_cast %add3A_193 : i32 to index
      %get3A_194 = tpu.vector_load %arg8[%get3A] {strides = array<i32>} : memref<20000xi32, #tpu.memory_space<vmem>>, vector<16xi32>,
      %get3A_195 = vector.shape_cast %get3A_194 : vector<16xi32> to vector<16xi32>
      %sub3A = arith.constant 10 : i32
      %sub3A_196 = vector.broadcast %sub3A : i32 to vector<16xi32>
      %sub3A_197 = arith.subi %get3A_195, %sub3A_196 : vector<16xi32>
      %mul3A_198 = arith.constant 512 : i32
      %mul3A_199 = vector.broadcast %mul3A_198 : i32 to vector<16xi32>
      %mul3A_200 = arith.muli %sub3A_197, %mul3A_199 : vector<16xi32>
      %get3A_201 = arith.index_cast %add3A_193 : i32 to index
      %get3A_202 = tpu.vector_load %arg9[%get3A_201] {strides = array<i32>} : memref<20000xi32, #tpu.memory_space<vmem>>, vector<16xi32>,
      %get3A_203 = vector.shape_cast %get3A_202 : vector<16xi32> to vector<16xi32>
      %sub3A_204 = arith.constant 10 : i32
      %sub3A_205 = vector.broadcast %sub3A_204 : i32 to vector<16xi32>
      %sub3A_206 = arith.subi %get3A_203, %sub3A_205 : vector<16xi32>
      %add3A_207 = arith.addi %mul3A_200, %sub3A_206 : vector<16xi32>
      %add3A_208 = vector.broadcast %mul3A_3 : i32 to vector<16xi32>
      %add3A_209 = arith.addi %add3A_207, %add3A_208 : vector<16xi32>
      %swap3A = arith.index_cast %add3A_193 : i32 to index
      %swap3A_210 = tpu.vector_load %arg10[%swap3A] {strides = array<i32>} : memref<20000xi32, #tpu.memory_space<vmem>>, vector<16xi32>,
      %swap3A_211 = vector.shape_cast %swap3A_210 : vector<16xi32> to vector<16xi32>
      %swap3A_212 = vector.shape_cast %add3A_209 : vector<16xi32> to vector<16xi32>
      tpu.vector_store %arg10[%swap3A], %swap3A_212 {strides = array<i32>} : memref<20000xi32, #tpu.memory_space<vmem>>, vector<16xi32>,
    }
    %scan3A_99 = arith.constant 125 : i32
    %dma_start3A_100 = arith.constant 14000 : i32
    %dma_start3A_101 = tpu.memref_slice %arg11[%dma_start3A_100] : memref<20096xf32, #tpu.memory_space<vmem>> -> memref<2000xf32, #tpu.memory_space<vmem>>
    %dma_start3A_102 = arith.constant 14000 : i32
    %dma_start3A_103 = tpu.memref_slice %arg10[%dma_start3A_102] : memref<20000xi32, #tpu.memory_space<vmem>> -> memref<2000xi32, #tpu.memory_space<vmem>>
    %dma_start3A_104 = arith.constant 0 : i32
    %dma_start3A_105 = tpu.memref_slice %arg6[%dma_start3A_104] : memref<4194304xf32, #tpu.memory_space<hbm>> -> memref<4194304xf32, #tpu.memory_space<hbm>>
    tpu.enqueue_indirect_dma source(%dma_start3A_105 : memref<4194304xf32, #tpu.memory_space<hbm>>) target(%dma_start3A_101 : memref<2000xf32, #tpu.memory_space<vmem>>) offsets(%dma_start3A_103 : memref<2000xi32, #tpu.memory_space<vmem>>) semaphore(%arg12 : memref<!tpu.dma_semaphore, #tpu.memory_space<semaphore_mem>>)
    %scan3A_106 = arith.constant 0 : i32
    %scan3A_107 = arith.constant 0 : i32
    %scan3A_108 = arith.constant 125 : i32
    %scan3A_109 = arith.addi %scan3A_107, %scan3A_108 : i32
    %scan3A_110 = arith.constant 1 : i32
    scf.for %scan3A_189 = %scan3A_107 to %scan3A_109 step %scan3A_110  : i32 {
      %mul3A_190 = arith.constant 16 : i32
      %mul3A_191 = arith.muli %scan3A_189, %mul3A_190 : i32
      %add3A_192 = arith.constant 16000 : i32
      %add3A_193 = arith.addi %add3A_192, %mul3A_191 : i32
      %get3A = arith.index_cast %add3A_193 : i32 to index
      %get3A_194 = tpu.vector_load %arg8[%get3A] {strides = array<i32>} : memref<20000xi32, #tpu.memory_space<vmem>>, vector<16xi32>,
      %get3A_195 = vector.shape_cast %get3A_194 : vector<16xi32> to vector<16xi32>
      %sub3A = arith.constant 10 : i32
      %sub3A_196 = vector.broadcast %sub3A : i32 to vector<16xi32>
      %sub3A_197 = arith.subi %get3A_195, %sub3A_196 : vector<16xi32>
      %mul3A_198 = arith.constant 512 : i32
      %mul3A_199 = vector.broadcast %mul3A_198 : i32 to vector<16xi32>
      %mul3A_200 = arith.muli %sub3A_197, %mul3A_199 : vector<16xi32>
      %get3A_201 = arith.index_cast %add3A_193 : i32 to index
      %get3A_202 = tpu.vector_load %arg9[%get3A_201] {strides = array<i32>} : memref<20000xi32, #tpu.memory_space<vmem>>, vector<16xi32>,
      %get3A_203 = vector.shape_cast %get3A_202 : vector<16xi32> to vector<16xi32>
      %sub3A_204 = arith.constant 10 : i32
      %sub3A_205 = vector.broadcast %sub3A_204 : i32 to vector<16xi32>
      %sub3A_206 = arith.subi %get3A_203, %sub3A_205 : vector<16xi32>
      %add3A_207 = arith.addi %mul3A_200, %sub3A_206 : vector<16xi32>
      %add3A_208 = vector.broadcast %mul3A_3 : i32 to vector<16xi32>
      %add3A_209 = arith.addi %add3A_207, %add3A_208 : vector<16xi32>
      %swap3A = arith.index_cast %add3A_193 : i32 to index
      %swap3A_210 = tpu.vector_load %arg10[%swap3A] {strides = array<i32>} : memref<20000xi32, #tpu.memory_space<vmem>>, vector<16xi32>,
      %swap3A_211 = vector.shape_cast %swap3A_210 : vector<16xi32> to vector<16xi32>
      %swap3A_212 = vector.shape_cast %add3A_209 : vector<16xi32> to vector<16xi32>
      tpu.vector_store %arg10[%swap3A], %swap3A_212 {strides = array<i32>} : memref<20000xi32, #tpu.memory_space<vmem>>, vector<16xi32>,
    }
    %scan3A_111 = arith.constant 125 : i32
    %dma_start3A_112 = arith.constant 16000 : i32
    %dma_start3A_113 = tpu.memref_slice %arg11[%dma_start3A_112] : memref<20096xf32, #tpu.memory_space<vmem>> -> memref<2000xf32, #tpu.memory_space<vmem>>
    %dma_start3A_114 = arith.constant 16000 : i32
    %dma_start3A_115 = tpu.memref_slice %arg10[%dma_start3A_114] : memref<20000xi32, #tpu.memory_space<vmem>> -> memref<2000xi32, #tpu.memory_space<vmem>>
    %dma_start3A_116 = arith.constant 0 : i32
    %dma_start3A_117 = tpu.memref_slice %arg6[%dma_start3A_116] : memref<4194304xf32, #tpu.memory_space<hbm>> -> memref<4194304xf32, #tpu.memory_space<hbm>>
    tpu.enqueue_indirect_dma source(%dma_start3A_117 : memref<4194304xf32, #tpu.memory_space<hbm>>) target(%dma_start3A_113 : memref<2000xf32, #tpu.memory_space<vmem>>) offsets(%dma_start3A_115 : memref<2000xi32, #tpu.memory_space<vmem>>) semaphore(%arg12 : memref<!tpu.dma_semaphore, #tpu.memory_space<semaphore_mem>>)
    %scan3A_118 = arith.constant 0 : i32
    %scan3A_119 = arith.constant 0 : i32
    %scan3A_120 = arith.constant 125 : i32
    %scan3A_121 = arith.addi %scan3A_119, %scan3A_120 : i32
    %scan3A_122 = arith.constant 1 : i32
    scf.for %scan3A_189 = %scan3A_119 to %scan3A_121 step %scan3A_122  : i32 {
      %mul3A_190 = arith.constant 16 : i32
      %mul3A_191 = arith.muli %scan3A_189, %mul3A_190 : i32
      %add3A_192 = arith.constant 18000 : i32
      %add3A_193 = arith.addi %add3A_192, %mul3A_191 : i32
      %get3A = arith.index_cast %add3A_193 : i32 to index
      %get3A_194 = tpu.vector_load %arg8[%get3A] {strides = array<i32>} : memref<20000xi32, #tpu.memory_space<vmem>>, vector<16xi32>,
      %get3A_195 = vector.shape_cast %get3A_194 : vector<16xi32> to vector<16xi32>
      %sub3A = arith.constant 10 : i32
      %sub3A_196 = vector.broadcast %sub3A : i32 to vector<16xi32>
      %sub3A_197 = arith.subi %get3A_195, %sub3A_196 : vector<16xi32>
      %mul3A_198 = arith.constant 512 : i32
      %mul3A_199 = vector.broadcast %mul3A_198 : i32 to vector<16xi32>
      %mul3A_200 = arith.muli %sub3A_197, %mul3A_199 : vector<16xi32>
      %get3A_201 = arith.index_cast %add3A_193 : i32 to index
      %get3A_202 = tpu.vector_load %arg9[%get3A_201] {strides = array<i32>} : memref<20000xi32, #tpu.memory_space<vmem>>, vector<16xi32>,
      %get3A_203 = vector.shape_cast %get3A_202 : vector<16xi32> to vector<16xi32>
      %sub3A_204 = arith.constant 10 : i32
      %sub3A_205 = vector.broadcast %sub3A_204 : i32 to vector<16xi32>
      %sub3A_206 = arith.subi %get3A_203, %sub3A_205 : vector<16xi32>
      %add3A_207 = arith.addi %mul3A_200, %sub3A_206 : vector<16xi32>
      %add3A_208 = vector.broadcast %mul3A_3 : i32 to vector<16xi32>
      %add3A_209 = arith.addi %add3A_207, %add3A_208 : vector<16xi32>
      %swap3A = arith.index_cast %add3A_193 : i32 to index
      %swap3A_210 = tpu.vector_load %arg10[%swap3A] {strides = array<i32>} : memref<20000xi32, #tpu.memory_space<vmem>>, vector<16xi32>,
      %swap3A_211 = vector.shape_cast %swap3A_210 : vector<16xi32> to vector<16xi32>
      %swap3A_212 = vector.shape_cast %add3A_209 : vector<16xi32> to vector<16xi32>
      tpu.vector_store %arg10[%swap3A], %swap3A_212 {strides = array<i32>} : memref<20000xi32, #tpu.memory_space<vmem>>, vector<16xi32>,
    }
    %scan3A_123 = arith.constant 125 : i32
    %dma_start3A_124 = arith.constant 18000 : i32
    %dma_start3A_125 = tpu.memref_slice %arg11[%dma_start3A_124] : memref<20096xf32, #tpu.memory_space<vmem>> -> memref<2000xf32, #tpu.memory_space<vmem>>
    %dma_start3A_126 = arith.constant 18000 : i32
    %dma_start3A_127 = tpu.memref_slice %arg10[%dma_start3A_126] : memref<20000xi32, #tpu.memory_space<vmem>> -> memref<2000xi32, #tpu.memory_space<vmem>>
    %dma_start3A_128 = arith.constant 0 : i32
    %dma_start3A_129 = tpu.memref_slice %arg6[%dma_start3A_128] : memref<4194304xf32, #tpu.memory_space<hbm>> -> memref<4194304xf32, #tpu.memory_space<hbm>>
    tpu.enqueue_indirect_dma source(%dma_start3A_129 : memref<4194304xf32, #tpu.memory_space<hbm>>) target(%dma_start3A_125 : memref<2000xf32, #tpu.memory_space<vmem>>) offsets(%dma_start3A_127 : memref<2000xi32, #tpu.memory_space<vmem>>) semaphore(%arg12 : memref<!tpu.dma_semaphore, #tpu.memory_space<semaphore_mem>>)
    %dma_wait3A = arith.constant 0 : i32
    %dma_wait3A_130 = tpu.memref_slice %arg11[%dma_wait3A] : memref<20096xf32, #tpu.memory_space<vmem>> -> memref<2000xf32, #tpu.memory_space<vmem>>
    %dma_wait3A_131 = arith.constant 0 : i32
    %dma_wait3A_132 = tpu.memref_slice %arg10[%dma_wait3A_131] : memref<20000xi32, #tpu.memory_space<vmem>> -> memref<2000xi32, #tpu.memory_space<vmem>>
    %dma_wait3A_133 = arith.constant 0 : i32
    %dma_wait3A_134 = tpu.memref_slice %arg6[%dma_wait3A_133] : memref<4194304xf32, #tpu.memory_space<hbm>> -> memref<4194304xf32, #tpu.memory_space<hbm>>
    tpu.wait_indirect_dma semaphore(%arg12 : memref<!tpu.dma_semaphore, #tpu.memory_space<semaphore_mem>>) src(%dma_wait3A_134 : memref<4194304xf32, #tpu.memory_space<hbm>>) dst(%dma_wait3A_130 : memref<2000xf32, #tpu.memory_space<vmem>>)
    %dma_wait3A_135 = arith.constant 2000 : i32
    %dma_wait3A_136 = tpu.memref_slice %arg11[%dma_wait3A_135] : memref<20096xf32, #tpu.memory_space<vmem>> -> memref<2000xf32, #tpu.memory_space<vmem>>
    %dma_wait3A_137 = arith.constant 2000 : i32
    %dma_wait3A_138 = tpu.memref_slice %arg10[%dma_wait3A_137] : memref<20000xi32, #tpu.memory_space<vmem>> -> memref<2000xi32, #tpu.memory_space<vmem>>
    %dma_wait3A_139 = arith.constant 0 : i32
    %dma_wait3A_140 = tpu.memref_slice %arg6[%dma_wait3A_139] : memref<4194304xf32, #tpu.memory_space<hbm>> -> memref<4194304xf32, #tpu.memory_space<hbm>>
    tpu.wait_indirect_dma semaphore(%arg12 : memref<!tpu.dma_semaphore, #tpu.memory_space<semaphore_mem>>) src(%dma_wait3A_140 : memref<4194304xf32, #tpu.memory_space<hbm>>) dst(%dma_wait3A_136 : memref<2000xf32, #tpu.memory_space<vmem>>)
    %dma_wait3A_141 = arith.constant 4000 : i32
    %dma_wait3A_142 = tpu.memref_slice %arg11[%dma_wait3A_141] : memref<20096xf32, #tpu.memory_space<vmem>> -> memref<2000xf32, #tpu.memory_space<vmem>>
    %dma_wait3A_143 = arith.constant 4000 : i32
    %dma_wait3A_144 = tpu.memref_slice %arg10[%dma_wait3A_143] : memref<20000xi32, #tpu.memory_space<vmem>> -> memref<2000xi32, #tpu.memory_space<vmem>>
    %dma_wait3A_145 = arith.constant 0 : i32
    %dma_wait3A_146 = tpu.memref_slice %arg6[%dma_wait3A_145] : memref<4194304xf32, #tpu.memory_space<hbm>> -> memref<4194304xf32, #tpu.memory_space<hbm>>
    tpu.wait_indirect_dma semaphore(%arg12 : memref<!tpu.dma_semaphore, #tpu.memory_space<semaphore_mem>>) src(%dma_wait3A_146 : memref<4194304xf32, #tpu.memory_space<hbm>>) dst(%dma_wait3A_142 : memref<2000xf32, #tpu.memory_space<vmem>>)
    %dma_wait3A_147 = arith.constant 6000 : i32
    %dma_wait3A_148 = tpu.memref_slice %arg11[%dma_wait3A_147] : memref<20096xf32, #tpu.memory_space<vmem>> -> memref<2000xf32, #tpu.memory_space<vmem>>
    %dma_wait3A_149 = arith.constant 6000 : i32
    %dma_wait3A_150 = tpu.memref_slice %arg10[%dma_wait3A_149] : memref<20000xi32, #tpu.memory_space<vmem>> -> memref<2000xi32, #tpu.memory_space<vmem>>
    %dma_wait3A_151 = arith.constant 0 : i32
    %dma_wait3A_152 = tpu.memref_slice %arg6[%dma_wait3A_151] : memref<4194304xf32, #tpu.memory_space<hbm>> -> memref<4194304xf32, #tpu.memory_space<hbm>>
    tpu.wait_indirect_dma semaphore(%arg12 : memref<!tpu.dma_semaphore, #tpu.memory_space<semaphore_mem>>) src(%dma_wait3A_152 : memref<4194304xf32, #tpu.memory_space<hbm>>) dst(%dma_wait3A_148 : memref<2000xf32, #tpu.memory_space<vmem>>)
    %dma_wait3A_153 = arith.constant 8000 : i32
    %dma_wait3A_154 = tpu.memref_slice %arg11[%dma_wait3A_153] : memref<20096xf32, #tpu.memory_space<vmem>> -> memref<2000xf32, #tpu.memory_space<vmem>>
    %dma_wait3A_155 = arith.constant 8000 : i32
    %dma_wait3A_156 = tpu.memref_slice %arg10[%dma_wait3A_155] : memref<20000xi32, #tpu.memory_space<vmem>> -> memref<2000xi32, #tpu.memory_space<vmem>>
    %dma_wait3A_157 = arith.constant 0 : i32
    %dma_wait3A_158 = tpu.memref_slice %arg6[%dma_wait3A_157] : memref<4194304xf32, #tpu.memory_space<hbm>> -> memref<4194304xf32, #tpu.memory_space<hbm>>
    tpu.wait_indirect_dma semaphore(%arg12 : memref<!tpu.dma_semaphore, #tpu.memory_space<semaphore_mem>>) src(%dma_wait3A_158 : memref<4194304xf32, #tpu.memory_space<hbm>>) dst(%dma_wait3A_154 : memref<2000xf32, #tpu.memory_space<vmem>>)
    %dma_wait3A_159 = arith.constant 10000 : i32
    %dma_wait3A_160 = tpu.memref_slice %arg11[%dma_wait3A_159] : memref<20096xf32, #tpu.memory_space<vmem>> -> memref<2000xf32, #tpu.memory_space<vmem>>
    %dma_wait3A_161 = arith.constant 10000 : i32
    %dma_wait3A_162 = tpu.memref_slice %arg10[%dma_wait3A_161] : memref<20000xi32, #tpu.memory_space<vmem>> -> memref<2000xi32, #tpu.memory_space<vmem>>
    %dma_wait3A_163 = arith.constant 0 : i32
    %dma_wait3A_164 = tpu.memref_slice %arg6[%dma_wait3A_163] : memref<4194304xf32, #tpu.memory_space<hbm>> -> memref<4194304xf32, #tpu.memory_space<hbm>>
    tpu.wait_indirect_dma semaphore(%arg12 : memref<!tpu.dma_semaphore, #tpu.memory_space<semaphore_mem>>) src(%dma_wait3A_164 : memref<4194304xf32, #tpu.memory_space<hbm>>) dst(%dma_wait3A_160 : memref<2000xf32, #tpu.memory_space<vmem>>)
    %dma_wait3A_165 = arith.constant 12000 : i32
    %dma_wait3A_166 = tpu.memref_slice %arg11[%dma_wait3A_165] : memref<20096xf32, #tpu.memory_space<vmem>> -> memref<2000xf32, #tpu.memory_space<vmem>>
    %dma_wait3A_167 = arith.constant 12000 : i32
    %dma_wait3A_168 = tpu.memref_slice %arg10[%dma_wait3A_167] : memref<20000xi32, #tpu.memory_space<vmem>> -> memref<2000xi32, #tpu.memory_space<vmem>>
    %dma_wait3A_169 = arith.constant 0 : i32
    %dma_wait3A_170 = tpu.memref_slice %arg6[%dma_wait3A_169] : memref<4194304xf32, #tpu.memory_space<hbm>> -> memref<4194304xf32, #tpu.memory_space<hbm>>
    tpu.wait_indirect_dma semaphore(%arg12 : memref<!tpu.dma_semaphore, #tpu.memory_space<semaphore_mem>>) src(%dma_wait3A_170 : memref<4194304xf32, #tpu.memory_space<hbm>>) dst(%dma_wait3A_166 : memref<2000xf32, #tpu.memory_space<vmem>>)
    %dma_wait3A_171 = arith.constant 14000 : i32
    %dma_wait3A_172 = tpu.memref_slice %arg11[%dma_wait3A_171] : memref<20096xf32, #tpu.memory_space<vmem>> -> memref<2000xf32, #tpu.memory_space<vmem>>
    %dma_wait3A_173 = arith.constant 14000 : i32
    %dma_wait3A_174 = tpu.memref_slice %arg10[%dma_wait3A_173] : memref<20000xi32, #tpu.memory_space<vmem>> -> memref<2000xi32, #tpu.memory_space<vmem>>
    %dma_wait3A_175 = arith.constant 0 : i32
    %dma_wait3A_176 = tpu.memref_slice %arg6[%dma_wait3A_175] : memref<4194304xf32, #tpu.memory_space<hbm>> -> memref<4194304xf32, #tpu.memory_space<hbm>>
    tpu.wait_indirect_dma semaphore(%arg12 : memref<!tpu.dma_semaphore, #tpu.memory_space<semaphore_mem>>) src(%dma_wait3A_176 : memref<4194304xf32, #tpu.memory_space<hbm>>) dst(%dma_wait3A_172 : memref<2000xf32, #tpu.memory_space<vmem>>)
    %dma_wait3A_177 = arith.constant 16000 : i32
    %dma_wait3A_178 = tpu.memref_slice %arg11[%dma_wait3A_177] : memref<20096xf32, #tpu.memory_space<vmem>> -> memref<2000xf32, #tpu.memory_space<vmem>>
    %dma_wait3A_179 = arith.constant 16000 : i32
    %dma_wait3A_180 = tpu.memref_slice %arg10[%dma_wait3A_179] : memref<20000xi32, #tpu.memory_space<vmem>> -> memref<2000xi32, #tpu.memory_space<vmem>>
    %dma_wait3A_181 = arith.constant 0 : i32
    %dma_wait3A_182 = tpu.memref_slice %arg6[%dma_wait3A_181] : memref<4194304xf32, #tpu.memory_space<hbm>> -> memref<4194304xf32, #tpu.memory_space<hbm>>
    tpu.wait_indirect_dma semaphore(%arg12 : memref<!tpu.dma_semaphore, #tpu.memory_space<semaphore_mem>>) src(%dma_wait3A_182 : memref<4194304xf32, #tpu.memory_space<hbm>>) dst(%dma_wait3A_178 : memref<2000xf32, #tpu.memory_space<vmem>>)
    %dma_wait3A_183 = arith.constant 18000 : i32
    %dma_wait3A_184 = tpu.memref_slice %arg11[%dma_wait3A_183] : memref<20096xf32, #tpu.memory_space<vmem>> -> memref<2000xf32, #tpu.memory_space<vmem>>
    %dma_wait3A_185 = arith.constant 18000 : i32
    %dma_wait3A_186 = tpu.memref_slice %arg10[%dma_wait3A_185] : memref<20000xi32, #tpu.memory_space<vmem>> -> memref<2000xi32, #tpu.memory_space<vmem>>
    %dma_wait3A_187 = arith.constant 0 : i32
    %dma_wait3A_188 = tpu.memref_slice %arg6[%dma_wait3A_187] : memref<4194304xf32, #tpu.memory_space<hbm>> -> memref<4194304xf32, #tpu.memory_space<hbm>>
    tpu.wait_indirect_dma semaphore(%arg12 : memref<!tpu.dma_semaphore, #tpu.memory_space<semaphore_mem>>) src(%dma_wait3A_188 : memref<4194304xf32, #tpu.memory_space<hbm>>) dst(%dma_wait3A_184 : memref<2000xf32, #tpu.memory_space<vmem>>)
    "tpu.region"() ({
      %run_scoped3A = tpu.sem_alloc : memref<!tpu.dma_semaphore, #tpu.memory_space<semaphore_mem>>
      %dma_start3A_189 = arith.constant 0 : i32
      %dma_start3A_190 = tpu.memref_slice %arg7[%add3A, %dma_start3A_189] : memref<32x20096xf32, #tpu.memory_space<hbm>> -> memref<1x20096xf32, #tpu.memory_space<hbm>>
      %dma_start3A_191 = tpu.memref_squeeze %dma_start3A_190 : memref<1x20096xf32, #tpu.memory_space<hbm>> -> memref<20096xf32, #tpu.memory_space<hbm>>
      %dma_start3A_192 = arith.constant 0 : i32
      %dma_start3A_193 = tpu.memref_slice %arg7[%add3A, %dma_start3A_192] : memref<32x20096xf32, #tpu.memory_space<hbm>> -> memref<1x20096xf32, #tpu.memory_space<hbm>>
      %dma_start3A_194 = tpu.memref_squeeze %dma_start3A_193 : memref<1x20096xf32, #tpu.memory_space<hbm>> -> memref<20096xf32, #tpu.memory_space<hbm>>
      tpu.enqueue_dma source(%arg11 : memref<20096xf32, #tpu.memory_space<vmem>>) target(%dma_start3A_194 : memref<20096xf32, #tpu.memory_space<hbm>>) target_semaphore(%run_scoped3A : memref<!tpu.dma_semaphore, #tpu.memory_space<semaphore_mem>>)
      %dma_wait3A_195 = arith.constant 0 : i32
      %dma_wait3A_196 = tpu.memref_slice %arg7[%add3A, %dma_wait3A_195] : memref<32x20096xf32, #tpu.memory_space<hbm>> -> memref<1x20096xf32, #tpu.memory_space<hbm>>
      %dma_wait3A_197 = tpu.memref_squeeze %dma_wait3A_196 : memref<1x20096xf32, #tpu.memory_space<hbm>> -> memref<20096xf32, #tpu.memory_space<hbm>>
      %dma_wait3A_198 = arith.constant 0 : i32
      %dma_wait3A_199 = tpu.memref_slice %arg7[%add3A, %dma_wait3A_198] : memref<32x20096xf32, #tpu.memory_space<hbm>> -> memref<1x20096xf32, #tpu.memory_space<hbm>>
      %dma_wait3A_200 = tpu.memref_squeeze %dma_wait3A_199 : memref<1x20096xf32, #tpu.memory_space<hbm>> -> memref<20096xf32, #tpu.memory_space<hbm>>
      tpu.wait_dma2 semaphore(%run_scoped3A : memref<!tpu.dma_semaphore, #tpu.memory_space<semaphore_mem>>) src(%arg11 : memref<20096xf32, #tpu.memory_space<vmem>>) dst(%dma_wait3A_200 : memref<20096xf32, #tpu.memory_space<hbm>>)
      tpu.yield
    }) : () -> ()
    return
  }
}

module attributes {stable_mosaic.version = 14 : i64} {
  func.func @_loss_body(%arg0: memref<32x20096xf32, #tpu.memory_space<vmem>>, %arg1: memref<16x20000xf32, #tpu.memory_space<vmem>>, %arg2: memref<1x1xf32, #tpu.memory_space<vmem>>) attributes {dimension_semantics = [], scalar_prefetch = 0 : i64, scratch_operands = 0 : i64, tpu.core_type = #tpu.core_type<tc>} {
    %get3A = arith.constant 0 : index
    %get3A_0 = arith.constant 0 : index
    %get3A_1 = vector.load %arg0[%get3A, %get3A_0] : memref<32x20096xf32, #tpu.memory_space<vmem>>, vector<16x20000xf32>
    %get3A_2 = arith.constant 16 : index
    %get3A_3 = arith.constant 0 : index
    %get3A_4 = vector.load %arg0[%get3A_2, %get3A_3] : memref<32x20096xf32, #tpu.memory_space<vmem>>, vector<16x20000xf32>
    %get3A_5 = arith.constant 0 : index
    %get3A_6 = arith.constant 0 : index
    %get3A_7 = vector.load %arg1[%get3A_5, %get3A_6] : memref<16x20000xf32, #tpu.memory_space<vmem>>, vector<16x20000xf32>
    %sub3A = arith.subf %get3A_1, %get3A_4 : vector<16x20000xf32>
    %ne3A = arith.constant 0.000000e+00 : f32
    %ne3A_8 = vector.broadcast %ne3A : f32 to vector<16x20000xf32>
    %ne3A_9 = arith.cmpf one, %get3A_7, %ne3A_8 : vector<16x20000xf32>
    %neg3A = arith.constant 0.000000e+00 : f32
    %neg3A_10 = vector.broadcast %neg3A : f32 to vector<16x20000xf32>
    %neg3A_11 = arith.subf %neg3A_10, %get3A_7 : vector<16x20000xf32>
    %mul3A = arith.mulf %neg3A_11, %sub3A : vector<16x20000xf32>
    %exp3A = math.exp %mul3A : vector<16x20000xf32>
    %log1p3A = math.log1p %exp3A : vector<16x20000xf32>
    %jit3A = arith.constant 0.000000e+00 : f32
    %broadcast_in_dim3A = vector.broadcast %jit3A : f32 to vector<16x20000xf32>
    %select_n3A = arith.select %ne3A_9, %log1p3A, %broadcast_in_dim3A : vector<16x20000xi1>, vector<16x20000xf32>
    %mul3A_12 = arith.mulf %sub3A, %sub3A : vector<16x20000xf32>
    %jit3A_13 = arith.constant 0.000000e+00 : f32
    %broadcast_in_dim3A_14 = vector.broadcast %jit3A_13 : f32 to vector<16x20000xf32>
    %select_n3A_15 = arith.select %ne3A_9, %mul3A_12, %broadcast_in_dim3A_14 : vector<16x20000xi1>, vector<16x20000xf32>
    %convert_element_type3A = arith.extui %ne3A_9 : vector<16x20000xi1> to vector<16x20000xi32>
    %convert_element_type3A_16 = arith.sitofp %convert_element_type3A : vector<16x20000xi32> to vector<16x20000xf32>
    %reduce_sum3A = arith.constant dense<0.000000e+00> : vector<16xf32>
    %reduce_sum3A_17 = vector.multi_reduction <add>, %convert_element_type3A_16, %reduce_sum3A [1] : vector<16x20000xf32> to vector<16xf32>
    %reduce_sum3A_18 = arith.constant dense<0.000000e+00> : vector<16xf32>
    %reduce_sum3A_19 = vector.multi_reduction <add>, %select_n3A, %reduce_sum3A_18 [1] : vector<16x20000xf32> to vector<16xf32>
    %reduce_sum3A_20 = arith.constant dense<0.000000e+00> : vector<16xf32>
    %reduce_sum3A_21 = vector.multi_reduction <add>, %select_n3A_15, %reduce_sum3A_20 [1] : vector<16x20000xf32> to vector<16xf32>
    %add3A = arith.addf %reduce_sum3A_19, %reduce_sum3A_21 : vector<16xf32>
    %div3A = arith.divf %add3A, %reduce_sum3A_17 : vector<16xf32>
    %reduce_sum3A_22 = vector.shape_cast %div3A : vector<16xf32> to vector<1x16xf32>
    %reduce_sum3A_23 = arith.constant dense<0.000000e+00> : vector<1xf32>
    %reduce_sum3A_24 = vector.multi_reduction <add>, %reduce_sum3A_22, %reduce_sum3A_23 [1] : vector<1x16xf32> to vector<1xf32>
    %reduce_sum3A_25 = vector.shape_cast %reduce_sum3A_24 : vector<1xf32> to vector<1x1xf32>
    %reduce_sum3A_26 = vector.extract %reduce_sum3A_25[0, 0] : f32 from vector<1x1xf32>
    %div3A_27 = arith.constant 1.600000e+01 : f32
    %div3A_28 = arith.divf %reduce_sum3A_26, %div3A_27 : f32
    %reshape3A = vector.broadcast %div3A_28 : f32 to vector<1x1xf32>
    %swap3A = arith.constant 0 : index
    %swap3A_29 = arith.constant 0 : index
    %swap3A_30 = vector.load %arg2[%swap3A, %swap3A_29] : memref<1x1xf32, #tpu.memory_space<vmem>>, vector<1x1xf32>
    tpu.vector_store %arg2[%swap3A, %swap3A_29], %reshape3A {strides = array<i32>} : memref<1x1xf32, #tpu.memory_space<vmem>>, vector<1x1xf32>,
    return
  }
}

</mosaic_0001>

<sc_bundles>
// kernel: kernel.4.cloned.1.call-start
scs
__scs_entry_jumppad:
0x0: {  	(pc) =	sbr.rel $0x88, $3  }
0x1: {  	(tag) =	ssettag $0x0;
	lr =	simm.s32 $0x1  }
0x2: {  	[smem:$0x3F9B] =	sst lr;
	_ =	strace $0xD0000000  }
0x3: {  	_ = 	snop  }
0x4: {  	_ = 	snop  }
0x5: {  	_ = 	snop  }
0x6: {  	_ = 	snop  }
0x7: {  	_ = 	snop  }
__scs_overlays_trampoline_lowered:
0x8: {  	[smem:$0x3FAA] =	sst s0  }
0x9: {  	[smem:$0x3FAB] =	sst s1  }
0xa: {  	[smem:$0x3FAC] =	sst s2  }
0xb: {  	[smem:$0x3FAD] =	sst s3  }
0xc: {  	[smem:$0x3FAE] =	sst s4  }
0xd: {  	[smem:$0x3FAF] =	sst s5  }
0xe: {  	[smem:$0x3FB0] =	sst s6  }
0xf: {  	[smem:$0x3FB1] =	sst s7  }
0x10: {  	[smem:$0x3FB2] =	sst s8  }
0x11: {  	[smem:$0x3FB3] =	sst s9;
	s0 =	simm.s32 @!p0 $0x0  }
0x12: {  	s1 =	sld [smem:$0x3F99];
	s0 =	simm.s32 @p0 $0x1  }
0x13: {  	[smem:$0x3FB4] =	sst s0;
	s0 =	simm.s32 @!p1 $0x0  }
0x14: {  	s2 =	sld [smem:$0x3F98];
	s0 =	simm.s32 @p1 $0x1  }
0x15: {  	[smem:$0x3FB5] =	sst s0;
	s0 =	simm.s32 @!p2 $0x0  }
0x16: {  	s3 =	sld [smem:$0x3FDB];
	s0 =	simm.s32 @p2 $0x1  }
0x17: {  	s4 =	simm.s32 $0x1BF5;
	[smem:$0x3FB7] =	sst s0  }
0x18: {  	s0 =	sld [smem:$0x3F9A];
	_ =	swait.ge [sflag:s4], $0x0  }
0x19: {  	s7 =	sld [smem:$0x3F9B]  }
0x1a: {  	s8 =	sadd.s32 $0xFFFFE003, lr  }
0x1b: {  	s9 =	sadd.s32 $0xFFFFFEF7, lr;
	s5 =	simm.s32 $0xFFFFFFFF;
	p2 =	slt.u32 s8, $0xFFFFF086  }
0x1c: {  	p1 =	slt.u32 s9, $0xF7A;
	s5 =	simm.s32 @!p2 $0x0  }
0x1d: {  	s5 =	simm.s32 @p1 $0x1;
	p0 =	seq.s32 s7, s2  }
0x1e: {  	s7 =	smul.u32 @!p0 $0xF7A, s2;
	p2 =	seq.s32 @!p0 s5, $0x0  }
0x1f: {  	s9 =	smul.u32 $0xF7A, s1;
	s8 =	simm.s32 @!p0 $0x1BF5;
	p2 =	por !p2, p0  }
0x20: {  	[sflag:s8] =	ssyncset.s32 @!p0 $0xFFFFF086;
	s6 =	sadd.s32 @!p0 s3, s7;
	s7 =	simm.s32 @!p0 $0x108  }
0x21: {  	s3 =	sadd.s32 s3, s9;
	s6 =	sadd.s32 @!p0 $0x88, s6;
	s7 =	simm.s32 @p2 $0x1082  }
0x22: {  	[simem:s7], [sflag:s8] =	dma.local @!p0 [hbm:s6], $0xF7A  }
0x23: {  	s9 =	sor.u32 $0xD0000000, s2;
	s6 =	simm.s32 $0x108;
	_ =	swait.ge @!p0 [sflag:s8], $0x0  }
0x24: {  	s3 =	sadd.s32 $0x88, s3;
	s6 =	simm.s32 @!p1 $0x1082;
	[sflag:s4] =	ssyncset.s32 $0xFFFFF086  }
0x25: {  	[simem:s6], [sflag:s4] =	dma.local [hbm:s3], $0xF7A  }
0x26: {  	[smem:$0x3F9B] =	sst s1;
	(tag) =	ssettag s2;
	_ =	strace s9  }
0x27: {  	s1 =	sld [smem:$0x3FAB]  }
0x28: {  	s2 =	sld [smem:$0x3FAC]  }
0x29: {  	s4 =	sld [smem:$0x3FAE]  }
0x2a: {  	p0 =	seq.s32 s5, $0x0;
	s5 =	sld [smem:$0x3FAF]  }
0x2b: {  	s6 =	sld [smem:$0x3FB0]  }
0x2c: {  	s7 =	sld [smem:$0x3FB1]  }
0x2d: {  	s3 =	simm.s32 $0x108;
	s8 =	sld [smem:$0x3FB2]  }
0x2e: {  	s3 =	simm.s32 @!p0 $0x1082;
	s9 =	sld [smem:$0x3FB3]  }
0x2f: {  	lr =	sadd.s32 s0, s3;
	s0 =	sld [smem:$0x3FAA]  }
0x30: {  	s3 =	sld [smem:$0x3FAD]  }
0x31: {  	[smem:$0x3FB6] =	sst s10  }
0x32: {  	s10 =	sld [smem:$0x3FB4];
	_ =	sdelay $0x3  }
0x33: {  	p0 =	seq.s32 s10, $0x1;
	s10 =	sld [smem:$0x3FB6];
	_ =	sdelay $0x3  }
0x34: {  	[smem:$0x3FB6] =	sst s10  }
0x35: {  	s10 =	sld [smem:$0x3FB5];
	_ =	sdelay $0x3  }
0x36: {  	p1 =	seq.s32 s10, $0x1;
	s10 =	sld [smem:$0x3FB6];
	_ =	sdelay $0x3  }
0x37: {  	[smem:$0x3FB6] =	sst s10  }
0x38: {  	s10 =	sld [smem:$0x3FB7]  }
0x39: {  	_ = 	snop;
	(pc) =	sbr.ind lr, $3  }
0x3a: {  	_ = 	snop  }
0x3b: {  	_ = 	snop  }
0x3c: {  	p2 =	seq.s32 s10, $0x1;
	s10 =	sld [smem:$0x3FB6]  }
0x3d: {  	_ =	shalt  }
0x3e: {  	_ =	shalt  }
0x3f: {  	_ =	shalt  }
0x40: {  	_ =	shalt  }
0x41: {  	_ =	shalt  }
0x42: {  	_ =	shalt  }
0x43: {  	_ =	shalt  }
0x44: {  	_ =	shalt  }
0x45: {  	_ =	shalt  }
0x46: {  	_ =	shalt  }
0x47: {  	_ =	shalt  }
0x48: {  	_ =	shalt  }
0x49: {  	_ =	shalt  }
0x4a: {  	_ =	shalt  }
0x4b: {  	_ =	shalt  }
0x4c: {  	_ =	shalt  }
0x4d: {  	_ =	shalt  }
0x4e: {  	_ =	shalt  }
0x4f: {  	_ =	shalt  }
0x50: {  	_ =	shalt  }
0x51: {  	_ =	shalt  }
0x52: {  	_ =	shalt  }
0x53: {  	_ =	shalt  }
0x54: {  	_ =	shalt  }
0x55: {  	_ =	shalt  }
0x56: {  	_ =	shalt  }
0x57: {  	_ =	shalt  }
0x58: {  	_ =	shalt  }
0x59: {  	_ =	shalt  }
0x5a: {  	_ =	shalt  }
0x5b: {  	_ =	shalt  }
0x5c: {  	_ =	shalt  }
0x5d: {  	_ =	shalt  }
0x5e: {  	_ =	shalt  }
0x5f: {  	_ =	shalt  }
0x60: {  	_ =	shalt  }
0x61: {  	_ =	shalt  }
0x62: {  	_ =	shalt  }
0x63: {  	_ =	shalt  }
0x64: {  	_ =	shalt  }
0x65: {  	_ =	shalt  }
0x66: {  	_ =	shalt  }
0x67: {  	_ =	shalt  }
0x68: {  	_ =	shalt  }
0x69: {  	_ =	shalt  }
0x6a: {  	_ =	shalt  }
0x6b: {  	_ =	shalt  }
0x6c: {  	_ =	shalt  }
0x6d: {  	_ =	shalt  }
0x6e: {  	_ =	shalt  }
0x6f: {  	_ =	shalt  }
0x70: {  	_ =	shalt  }
0x71: {  	_ =	shalt  }
0x72: {  	_ =	shalt  }
0x73: {  	_ =	shalt  }
0x74: {  	_ =	shalt  }
0x75: {  	_ =	shalt  }
0x76: {  	_ =	shalt  }
0x77: {  	_ =	shalt  }
0x78: {  	_ =	shalt  }
0x79: {  	_ =	shalt  }
0x7a: {  	_ =	shalt  }
0x7b: {  	_ =	shalt  }
0x7c: {  	_ =	shalt  }
0x7d: {  	_ =	shalt  }
0x7e: {  	_ =	shalt  }
0x7f: {  	_ =	shalt  }
0x80: {  	_ =	shalt  }
0x81: {  	_ =	shalt  }
0x82: {  	_ =	shalt  }
0x83: {  	_ =	shalt  }
0x84: {  	_ =	shalt  }
0x85: {  	_ =	shalt  }
0x86: {  	_ =	shalt  }
0x87: {  	_ =	shalt  }
.Lfunc_end0:
.L_simem_size_0:
called_computation_lowered:
.L_overlay_start_0:
0x88: {  	s2 =	sld [smem:$0x3FD9]  }
0x89: {  	s3 =	sld [smem:$0x3FFE];
	_ =	sdelay $0x1  }
0x8a: {  	s1 =	srdreg.scid  }
0x8b: {  	s0 =	sand.u32 $0x1, s1  }
0x8c: {  	s16 =	sshll.u32 s0, $0xA;
	s2 =	sadd.s32 s3, s2  }
0x8d: {  	s2 =	sadd.s32 s2, s16  }
0x8e: {  	[smem:$0x3FC2] =	sst s2  }
0x8f: {  	_ = 	snop  }
0x90: {  	(tm) =	ssettm $0x1  }
0x91: {  	s17 =	sld [smem:$0x3FFB];
	_ =	sdelay $0x3  }
0x92: {  	_ =	strace s17  }
0x93: {  	s2 =	sld [smem:$0x3FFC];
	_ =	sdelay $0x3  }
0x94: {  	_ =	strace s2  }
0x95: {  	s2 =	sld [smem:$0x3FFD];
	_ =	sdelay $0x3  }
0x96: {  	_ =	strace s2  }
0x97: {  	_ =	strace $0x8FFFFFFF  }
0x98: {  	s18 =	sld [smem:$0x3FDB];
	_ =	sdelay $0x1  }
0x99: {  	s19 =	simm.s32 $_scs_section_size  }
0x9a: {  	s4 =	simm.s32 $_size__tile_overlayer_lowered;
	s5 =	simm.s32 $_tile_overlayer_lowered  }
0x9b: {  	s22 =	simm.s32 $0x1BFF;
	s21 =	sshll.u32 s5, $0x1;
	s2 =	sadd.s32 s19, s18  }
0x9c: {  	s6 =	simm.s32 $0x0;
	s20 =	sshll.u32 s4, $0x1;
	s4 =	sadd.s32 s21, s2  }
0x9d: {  	[timem:s6], [sflag:s22] =	dma.local [hbm:s4], s20  }
0x9e: {  	_ =	swait.ge [sflag:s22], s20  }
0x9f: {  	s3 =	ssub.s32 $0x0, s20;
	[sflag:s22] =	ssyncset.done $0x0  }
0xa0: {  	[sflag:s22] =	ssyncadd.s32 s3;
	_ =	sdelay $0x1  }
0xa1: {  	s23 =	simm.s32 $0x1B8B  }
0xa2: {  	_ =	swait.ge [sflag:s23], $0x1  }
0xa3: {  	[sflag:s23] =	ssyncset.done $0x0  }
0xa4: {  	s25 =	simm.s32 $0x1B8E;
	s24 =	sld [smem:$0x3FFE];
	[sflag:s23] =	ssyncadd.s32 $0xFFFFFFFF  }
0xa5: {  	s26 =	simm.s32 $execute0_lowered;
	[smem:$0x3FD2] =	sst s25  }
0xa6: {  	s4 =	sshll.u32 s26, $0x1;
	_ =	strace $0x80000046;
	[dreg:$0x1] =	wrdreg $0xFFFFFFFF  }
0xa7: {  	s28 =	simm.s32 $_size_execute0_lowered;
	s2 =	sadd.s32 s2, s4;
	[dreg:$0x0] =	wrdreg $0x0  }
0xa8: {  	s4 =	sshll.u32 s28, $0x1;
	[dreg:$0x2] =	wrdreg s2  }
0xa9: {  	[dreg:$0x3] =	wrdreg s4  }
0xaa: {  	[dreg:$0x4] =	wrdreg $0xC0  }
0xab: {  	_ =	task [dreg:s6], $0x5FFFF  }
0xac: {  	[dreg:$0x1] =	wrdreg $0xFFFFFFFF  }
0xad: {  	[dreg:$0x0] =	wrdreg $0x60  }
0xae: {  	[dreg:$0x2] =	wrdreg s24  }
0xaf: {  	[dreg:$0x3] =	wrdreg $0x9  }
0xb0: {  	_ =	task.clear_ibuf [dreg:s6], $0x4FFFF;
	_ =	strace $0x90000046  }
0xb1: {  	s29 =	simm.s32 $0x9;
	_ =	strace $0x80000048  }
0xb2: {  	_ =	swait.ge [sflag:s29], $0x1  }
0xb3: {  	[sflag:s29] =	ssyncadd.s32 $0xFFFFFFFF  }
0xb4: {  	_ =	strace $0x90000048  }
0xb5: {  	_ =	sfence  }
0xb6: {  	s30 =	sld [smem:$0x0];
	_ =	sdelay $0x2  }
0xb7: {  	s31 =	sshll.u32 s1, $0xD;
	s1 =	sshrl.u32 s1, $0x2  }
0xb8: {  	s3 =	sand.u32 $0x4000, s31;
	s1 =	sadd.s32 s1, s30  }
0xb9: {  	s0 =	sor.u32 s3, s0;
	s1 =	sshll.u32 s1, $0x11  }
0xba: {  	s0 =	sor.u32 s1, s0  }
0xbb: {  	s0 =	sadd.s32 $0x8F2B, s0  }
0xbc: {  	[sflag:s0] =	ssyncadd.remote.s32 $0x1  }
0xbd: {  	_ =	sfence.sel $0xFFFF  }
0xbe: {  	[dreg:$0x0] =	wrdreg $0xFFFFFFFF;
	(pc) =	sbr.abs _section_cstart, $3  }
0xbf: {  	[dreg:$0x1] =	wrdreg $0xFFFFFFFF  }
0xc0: {  	_ =	task.clear_ibuf [dreg:s6], $0x2FFFF;
	_ =	strace $0x9FFFFFFF  }
0xc1: {  	(tm) =	ssettm $0x7FFFFFFF  }
tec
execute0_lowered:
.L_overlay_start_1:
0x0: {  	(tag) =	ssettag $0x1  }
0x1: {  	s0 =	rddreg [dreg:$0x0];
	s2 =	simm.s32 $0x0  }
0x2: {  	s1 =	srdreg.scid;
	s12 =	stileid.u32;
	s16 =	simm.s32 $0xFB20  }
0x3: {  	s17 =	simm.s32 $0xB470;
	s18 =	simm.s32 $0x102F0;
	s19 =	simm.s32 $0xBC40  }
0x4: {  	s20 =	simm.s32 $0x10AC0;
	s21 =	simm.s32 $0xC410;
	s22 =	simm.s32 $0x11290  }
0x5: {  	s23 =	simm.s32 $0xCBE0;
	s24 =	simm.s32 $0x11A60;
	s28 =	simm.s32 $0xDB80  }
0x6: {  	s29 =	simm.s32 $0x12A00;
	s30 =	simm.s32 $0xE350;
	s31 =	simm.s32 $0x131D0  }
0x7: {  	[smem:$0x7FF] =	sst s2;
	s1 =	sand.u32 $0x1, s1;
	s3 =	sshll.u32 s12, $0x1  }
0x8: {  	s25 =	sshrl.u32 s12, $0x2;
	s5 =	sadd.s32 $0xE00, s0;
	s7 =	sadd.s32 $0xAC00, s0  }
0x9: {  	s8 =	sadd.s32 $0x14A00, s0;
	s9 =	sadd.s32 $0x1E800, s0;
	p0 =	slt.u32 s12, $0x8  }
0xa: {  	s12 =	simm.s32 $0xEB80;
	_ =	strace $0x80000047;
	s4 =	sor.u32 s1, s3  }
0xb: {  	s3 =	smul.u32 $0x27400, s25;
	s1 =	ssub.s32 $0x2, s1;
	s8 =	smov.u32 @p0 s5  }
0xc: {  	s9 =	smov.u32 @p0 s7;
	s25 =	simm.s32 $0xD3B0;
	s6 =	sshll.u32 s4, $0x7  }
0xd: {  	s10 =	sshrl.u32 s1, $0x1;
	s4 =	sand.u32 $0xF, s4;
	s6 =	sand.u32 $0x380, s6  }
0xe: {  	s1 =	ssub.s32 s1, s10;
	s11 =	sshll.u32 s4, $0x12;
	s26 =	smul.u32 $0x9C4, s4  }
0xf: {  	s10 =	simm.s32 $0x7D0;
	s6 =	sor.u32 s3, s6;
	s3 =	sadd.s32 $0x28600, s0  }
0x10: {  	s5 =	smax.u32 s1, $0x1;
	v0 =	vmov s11;
	s1 =	simm.s32 $0x80;
	s11 =	simm.s32 $0x0  }
0x11: {  	s6 =	sshrl.u32 s6, $0x3;
	s7 =	sadd.s32 s9, s26;
	s9 =	simm.s32 $0x400  }
0x12: {  	v0 =	vadd.s32 $0xFFFFEBF6, v0;
	s0 =	sadd.s32 s6, s0;
	s6 =	sadd.s32 s8, s26;
	s8 =	simm.s32 $0x2  }
0x13: {  	s26 =	simm.s32 $0x12230;
	v0 =	vbroadcast v0, $0x0;
	s4 =	sadd.s32 $0xA8600, s0;
	s0 =	simm.s32 $0x1  }
.LBB2_1:
0x14: {  	[tilespmem:s2], [sflag:$0x2] =	stream.linear.gather [hbm4b:s6+s2], $0x4E20, $0x38;
	[tilespmem:$0x13A00] =	vst v63  }
0x15: {  	_ =	swait.ge [sflag:s8], $0x4E20  }
0x16: {  	[sflag:s8] =	ssyncset.done $0x0  }
0x17: {  	s13 =	simm.s32 $0x4E80;
	[sflag:s8] =	ssyncadd.s32 $0xFFFFB1E0  }
0x18: {  	[tilespmem:s13], [sflag:$0x2] =	stream.linear.gather [hbm4b:s7+s2], $0x4E20, $0x38;
	[tilespmem:$0x13A00] =	vst v63  }
0x19: {  	_ =	swait.ge [sflag:s8], $0x4E20  }
0x1a: {  	[sflag:s8] =	ssyncset.done $0x0  }
0x1b: {  	s13 =	simm.s32 $0x0;
	[sflag:s8] =	ssyncadd.s32 $0xFFFFB1E0  }
0x1c: {  	v1 =	vld [tilespmem:s13+$0x0]  }
0x1d: {  	s14 =	simm.s32 $0x40;
	v2 =	vld [tilespmem:s13+$0x4E80]  }
.LBB2_2:
0x1e: {  	_ = 	snop  }
0x1f: {  	p0 =	sne.s32 s14, $0x1F00  }
.Ltmp0:
0x20: {  	_ = 	snop;
	(pc) =	sbr.rel @p0 .LBB2_2-.Ltmp0, $4  }
0x21: {  	_ = 	snop  }
0x22: {  	s15 =	sshra.s32 s14, $0x2;
	v3 =	vshll.u32 v1, $0x9;
	v4 =	vadd.s32 v0, v2  }
0x23: {  	v1 =	vld [tilespmem:s15+$0x0];
	v3 =	vadd.s32 v3, v4  }
0x24: {  	s14 =	sadd.s32 $0x40, s14;
	v2 =	vld [tilespmem:s15+$0x4E80];
	[tilespmem:s13+$0x9D00] =	vst v3;
	s13 =	smov.u32 s15  }
0x25: {  	_ =	sdelay $0x3  }
0x26: {  	v1 =	vshll.u32 v1, $0x9;
	v2 =	vadd.s32 v0, v2  }
0x27: {  	v1 =	vadd.s32 v1, v2  }
0x28: {  	s15 =	simm.s32 $0x9D00;
	[tilespmem:s13+$0x9D00] =	vst v1;
	s13 =	simm.s32 $0x0  }
0x29: {  	[tilespmem:s12], [sflag:$0x1] =	stream.indirect.gather [hbm4b:s3+s10], $0x1, s15, s10, $0xb8;
	[tilespmem:$0x13A00] =	vst v63  }
0x2a: {  	v1 =	vld [tilespmem:s13+$0x7D0]  }
0x2b: {  	s14 =	simm.s32 $0x40;
	v2 =	vld [tilespmem:s13+$0x5650]  }
.LBB2_4:
0x2c: {  	_ = 	snop  }
0x2d: {  	p0 =	sne.s32 s14, $0x1F00  }
.Ltmp1:
0x2e: {  	_ = 	snop;
	(pc) =	sbr.rel @p0 .LBB2_4-.Ltmp1, $4  }
0x2f: {  	_ = 	snop  }
0x30: {  	s15 =	sshra.s32 s14, $0x2;
	v3 =	vshll.u32 v1, $0x9;
	v4 =	vadd.s32 v0, v2  }
0x31: {  	v1 =	vld [tilespmem:s15+$0x7D0];
	v3 =	vadd.s32 v3, v4  }
0x32: {  	s14 =	sadd.s32 $0x40, s14;
	v2 =	vld [tilespmem:s15+$0x5650];
	[tilespmem:s13+$0xA4D0] =	vst v3;
	s13 =	smov.u32 s15  }
0x33: {  	_ =	sdelay $0x3  }
0x34: {  	v1 =	vshll.u32 v1, $0x9;
	v2 =	vadd.s32 v0, v2  }
0x35: {  	v1 =	vadd.s32 v1, v2  }
0x36: {  	s15 =	simm.s32 $0xA4D0;
	s14 =	simm.s32 $0xF350;
	[tilespmem:s13+$0xA4D0] =	vst v1;
	s13 =	simm.s32 $0x0  }
0x37: {  	[tilespmem:s14], [sflag:$0x1] =	stream.indirect.gather [hbm4b:s3+s10], $0x1, s15, s10, $0xb8;
	[tilespmem:$0x13A00] =	vst v63  }
0x38: {  	v1 =	vld [tilespmem:s13+$0xFA0]  }
0x39: {  	s14 =	simm.s32 $0x40;
	v2 =	vld [tilespmem:s13+$0x5E20]  }
.LBB2_6:
0x3a: {  	_ = 	snop  }
0x3b: {  	p0 =	sne.s32 s14, $0x1F00  }
.Ltmp2:
0x3c: {  	_ = 	snop;
	(pc) =	sbr.rel @p0 .LBB2_6-.Ltmp2, $4  }
0x3d: {  	_ = 	snop  }
0x3e: {  	s15 =	sshra.s32 s14, $0x2;
	v3 =	vshll.u32 v1, $0x9;
	v4 =	vadd.s32 v0, v2  }
0x3f: {  	v1 =	vld [tilespmem:s15+$0xFA0];
	v3 =	vadd.s32 v3, v4  }
0x40: {  	s14 =	sadd.s32 $0x40, s14;
	v2 =	vld [tilespmem:s15+$0x5E20];
	[tilespmem:s13+$0xACA0] =	vst v3;
	s13 =	smov.u32 s15  }
0x41: {  	_ =	sdelay $0x3  }
0x42: {  	v1 =	vshll.u32 v1, $0x9;
	v2 =	vadd.s32 v0, v2  }
0x43: {  	v1 =	vadd.s32 v1, v2  }
0x44: {  	s15 =	simm.s32 $0xACA0;
	[tilespmem:s13+$0xACA0] =	vst v1;
	s13 =	simm.s32 $0x0  }
0x45: {  	[tilespmem:s16], [sflag:$0x1] =	stream.indirect.gather [hbm4b:s3+s10], $0x1, s15, s10, $0xb8;
	[tilespmem:$0x13A00] =	vst v63  }
0x46: {  	v1 =	vld [tilespmem:s13+$0x1770]  }
0x47: {  	s14 =	simm.s32 $0x40;
	v2 =	vld [tilespmem:s13+$0x65F0]  }
.LBB2_8:
0x48: {  	_ = 	snop  }
0x49: {  	p0 =	sne.s32 s14, $0x1F00  }
.Ltmp3:
0x4a: {  	_ = 	snop;
	(pc) =	sbr.rel @p0 .LBB2_8-.Ltmp3, $4  }
0x4b: {  	_ = 	snop  }
0x4c: {  	s15 =	sshra.s32 s14, $0x2;
	v3 =	vshll.u32 v1, $0x9;
	v4 =	vadd.s32 v0, v2  }
0x4d: {  	v1 =	vld [tilespmem:s15+$0x1770];
	v3 =	vadd.s32 v3, v4  }
0x4e: {  	s14 =	sadd.s32 $0x40, s14;
	v2 =	vld [tilespmem:s15+$0x65F0];
	[tilespmem:s13+$0xB470] =	vst v3;
	s13 =	smov.u32 s15  }
0x4f: {  	_ =	sdelay $0x3  }
0x50: {  	v1 =	vshll.u32 v1, $0x9;
	v2 =	vadd.s32 v0, v2  }
0x51: {  	v1 =	vadd.s32 v1, v2  }
0x52: {  	[tilespmem:s13+$0xB470] =	vst v1;
	s13 =	simm.s32 $0x0  }
0x53: {  	[tilespmem:s18], [sflag:$0x1] =	stream.indirect.gather [hbm4b:s3+s10], $0x1, s17, s10, $0xb8;
	[tilespmem:$0x13A00] =	vst v63  }
0x54: {  	v1 =	vld [tilespmem:s13+$0x1F40]  }
0x55: {  	s14 =	simm.s32 $0x40;
	v2 =	vld [tilespmem:s13+$0x6DC0]  }
.LBB2_10:
0x56: {  	_ = 	snop  }
0x57: {  	p0 =	sne.s32 s14, $0x1F00  }
.Ltmp4:
0x58: {  	_ = 	snop;
	(pc) =	sbr.rel @p0 .LBB2_10-.Ltmp4, $4  }
0x59: {  	_ = 	snop  }
0x5a: {  	s15 =	sshra.s32 s14, $0x2;
	v3 =	vshll.u32 v1, $0x9;
	v4 =	vadd.s32 v0, v2  }
0x5b: {  	v1 =	vld [tilespmem:s15+$0x1F40];
	v3 =	vadd.s32 v3, v4  }
0x5c: {  	s14 =	sadd.s32 $0x40, s14;
	v2 =	vld [tilespmem:s15+$0x6DC0];
	[tilespmem:s13+$0xBC40] =	vst v3;
	s13 =	smov.u32 s15  }
0x5d: {  	_ =	sdelay $0x3  }
0x5e: {  	v1 =	vshll.u32 v1, $0x9;
	v2 =	vadd.s32 v0, v2  }
0x5f: {  	v1 =	vadd.s32 v1, v2  }
0x60: {  	[tilespmem:s13+$0xBC40] =	vst v1;
	s13 =	simm.s32 $0x0  }
0x61: {  	[tilespmem:s20], [sflag:$0x1] =	stream.indirect.gather [hbm4b:s3+s10], $0x1, s19, s10, $0xb8;
	[tilespmem:$0x13A00] =	vst v63  }
0x62: {  	v1 =	vld [tilespmem:s13+$0x2710]  }
0x63: {  	s14 =	simm.s32 $0x40;
	v2 =	vld [tilespmem:s13+$0x7590]  }
.LBB2_12:
0x64: {  	_ = 	snop  }
0x65: {  	p0 =	sne.s32 s14, $0x1F00  }
.Ltmp5:
0x66: {  	_ = 	snop;
	(pc) =	sbr.rel @p0 .LBB2_12-.Ltmp5, $4  }
0x67: {  	_ = 	snop  }
0x68: {  	s15 =	sshra.s32 s14, $0x2;
	v3 =	vshll.u32 v1, $0x9;
	v4 =	vadd.s32 v0, v2  }
0x69: {  	v1 =	vld [tilespmem:s15+$0x2710];
	v3 =	vadd.s32 v3, v4  }
0x6a: {  	s14 =	sadd.s32 $0x40, s14;
	v2 =	vld [tilespmem:s15+$0x7590];
	[tilespmem:s13+$0xC410] =	vst v3;
	s13 =	smov.u32 s15  }
0x6b: {  	_ =	sdelay $0x3  }
0x6c: {  	v1 =	vshll.u32 v1, $0x9;
	v2 =	vadd.s32 v0, v2  }
0x6d: {  	v1 =	vadd.s32 v1, v2  }
0x6e: {  	[tilespmem:s13+$0xC410] =	vst v1;
	s13 =	simm.s32 $0x0  }
0x6f: {  	[tilespmem:s22], [sflag:$0x1] =	stream.indirect.gather [hbm4b:s3+s10], $0x1, s21, s10, $0xb8;
	[tilespmem:$0x13A00] =	vst v63  }
0x70: {  	v1 =	vld [tilespmem:s13+$0x2EE0]  }
0x71: {  	s14 =	simm.s32 $0x40;
	v2 =	vld [tilespmem:s13+$0x7D60]  }
.LBB2_14:
0x72: {  	_ = 	snop  }
0x73: {  	p0 =	sne.s32 s14, $0x1F00  }
.Ltmp6:
0x74: {  	_ = 	snop;
	(pc) =	sbr.rel @p0 .LBB2_14-.Ltmp6, $4  }
0x75: {  	_ = 	snop  }
0x76: {  	s15 =	sshra.s32 s14, $0x2;
	v3 =	vshll.u32 v1, $0x9;
	v4 =	vadd.s32 v0, v2  }
0x77: {  	v1 =	vld [tilespmem:s15+$0x2EE0];
	v3 =	vadd.s32 v3, v4  }
0x78: {  	s14 =	sadd.s32 $0x40, s14;
	v2 =	vld [tilespmem:s15+$0x7D60];
	[tilespmem:s13+$0xCBE0] =	vst v3;
	s13 =	smov.u32 s15  }
0x79: {  	_ =	sdelay $0x3  }
0x7a: {  	v1 =	vshll.u32 v1, $0x9;
	v2 =	vadd.s32 v0, v2  }
0x7b: {  	v1 =	vadd.s32 v1, v2  }
0x7c: {  	[tilespmem:s13+$0xCBE0] =	vst v1;
	s13 =	simm.s32 $0x0  }
0x7d: {  	[tilespmem:s24], [sflag:$0x1] =	stream.indirect.gather [hbm4b:s3+s10], $0x1, s23, s10, $0xb8;
	[tilespmem:$0x13A00] =	vst v63  }
0x7e: {  	v1 =	vld [tilespmem:s13+$0x36B0]  }
0x7f: {  	s14 =	simm.s32 $0x40;
	v2 =	vld [tilespmem:s13+$0x8530]  }
.LBB2_16:
0x80: {  	_ = 	snop  }
0x81: {  	p0 =	sne.s32 s14, $0x1F00  }
.Ltmp7:
0x82: {  	_ = 	snop;
	(pc) =	sbr.rel @p0 .LBB2_16-.Ltmp7, $4  }
0x83: {  	_ = 	snop  }
0x84: {  	s15 =	sshra.s32 s14, $0x2;
	v3 =	vshll.u32 v1, $0x9;
	v4 =	vadd.s32 v0, v2  }
0x85: {  	v1 =	vld [tilespmem:s15+$0x36B0];
	v3 =	vadd.s32 v3, v4  }
0x86: {  	s14 =	sadd.s32 $0x40, s14;
	v2 =	vld [tilespmem:s15+$0x8530];
	[tilespmem:s13+$0xD3B0] =	vst v3;
	s13 =	smov.u32 s15  }
0x87: {  	_ =	sdelay $0x3  }
0x88: {  	v1 =	vshll.u32 v1, $0x9;
	v2 =	vadd.s32 v0, v2  }
0x89: {  	s15 =	simm.s32 $0x0;
	v1 =	vadd.s32 v1, v2  }
0x8a: {  	[tilespmem:s13+$0xD3B0] =	vst v1;
	s13 =	sand.u32 $0x7F0, s15  }
0x8b: {  	[tilespmem:s26], [sflag:$0x1] =	stream.indirect.gather [hbm4b:s3+s10], $0x1, s25, s10, $0xb8;
	[tilespmem:$0x13A00] =	vst v63  }
0x8c: {  	v1 =	vld [tilespmem:s13+$0x3E80]  }
0x8d: {  	s14 =	simm.s32 $0x10;
	v2 =	vld [tilespmem:s13+$0x8D00]  }
.LBB2_18:
0x8e: {  	_ = 	snop  }
0x8f: {  	p0 =	sne.s32 s14, $0x7C0  }
.Ltmp8:
0x90: {  	_ = 	snop;
	(pc) =	sbr.rel @p0 .LBB2_18-.Ltmp8, $4  }
0x91: {  	_ = 	snop  }
0x92: {  	s15 =	sand.u32 $0x7F0, s14;
	v3 =	vshll.u32 v1, $0x9;
	v4 =	vadd.s32 v0, v2  }
0x93: {  	v1 =	vld [tilespmem:s15+$0x3E80];
	v3 =	vadd.s32 v3, v4  }
0x94: {  	s14 =	sadd.s32 $0x10, s14;
	v2 =	vld [tilespmem:s15+$0x8D00];
	[tilespmem:s13+$0xDB80] =	vst v3;
	s13 =	smov.u32 s15  }
0x95: {  	_ =	sdelay $0x3  }
0x96: {  	v1 =	vshll.u32 v1, $0x9;
	v2 =	vadd.s32 v0, v2  }
0x97: {  	v1 =	vadd.s32 v1, v2  }
0x98: {  	[tilespmem:s13+$0xDB80] =	vst v1;
	s13 =	simm.s32 $0x0  }
0x99: {  	[tilespmem:s29], [sflag:$0x1] =	stream.indirect.gather [hbm4b:s3+s10], $0x1, s28, s10, $0xb8;
	[tilespmem:$0x13A00] =	vst v63  }
0x9a: {  	v1 =	vld [tilespmem:s13+$0x4650]  }
0x9b: {  	s14 =	simm.s32 $0x40;
	v2 =	vld [tilespmem:s13+$0x94D0]  }
.LBB2_20:
0x9c: {  	_ = 	snop  }
0x9d: {  	p0 =	sne.s32 s14, $0x1F00  }
.Ltmp9:
0x9e: {  	_ = 	snop;
	(pc) =	sbr.rel @p0 .LBB2_20-.Ltmp9, $4  }
0x9f: {  	_ = 	snop  }
0xa0: {  	s15 =	sshra.s32 s14, $0x2;
	v3 =	vshll.u32 v1, $0x9;
	v4 =	vadd.s32 v0, v2  }
0xa1: {  	v1 =	vld [tilespmem:s15+$0x4650];
	v3 =	vadd.s32 v3, v4  }
0xa2: {  	s14 =	sadd.s32 $0x40, s14;
	v2 =	vld [tilespmem:s15+$0x94D0];
	[tilespmem:s13+$0xE350] =	vst v3;
	s13 =	smov.u32 s15  }
0xa3: {  	_ =	sdelay $0x3  }
0xa4: {  	v1 =	vshll.u32 v1, $0x9;
	v2 =	vadd.s32 v0, v2  }
0xa5: {  	v1 =	vadd.s32 v1, v2  }
0xa6: {  	[tilespmem:s13+$0xE350] =	vst v1  }
0xa7: {  	[tilespmem:s31], [sflag:$0x1] =	stream.indirect.gather [hbm4b:s3+s10], $0x1, s30, s10, $0xb8;
	[tilespmem:$0x13A00] =	vst v63  }
0xa8: {  	_ =	swait.ge [sflag:s0], $0x7D0  }
0xa9: {  	[sflag:s0] =	ssyncset.done $0x0  }
0xaa: {  	[sflag:s0] =	ssyncadd.s32 $0xFFFFF830  }
0xab: {  	_ =	swait.ge [sflag:s0], $0x7D0  }
0xac: {  	[sflag:s0] =	ssyncset.done $0x0  }
0xad: {  	[sflag:s0] =	ssyncadd.s32 $0xFFFFF830  }
0xae: {  	_ =	swait.ge [sflag:s0], $0x7D0  }
0xaf: {  	[sflag:s0] =	ssyncset.done $0x0  }
0xb0: {  	[sflag:s0] =	ssyncadd.s32 $0xFFFFF830  }
0xb1: {  	_ =	swait.ge [sflag:s0], $0x7D0  }
0xb2: {  	[sflag:s0] =	ssyncset.done $0x0  }
0xb3: {  	[sflag:s0] =	ssyncadd.s32 $0xFFFFF830  }
0xb4: {  	_ =	swait.ge [sflag:s0], $0x7D0  }
0xb5: {  	[sflag:s0] =	ssyncset.done $0x0  }
0xb6: {  	[sflag:s0] =	ssyncadd.s32 $0xFFFFF830  }
0xb7: {  	_ =	swait.ge [sflag:s0], $0x7D0  }
0xb8: {  	[sflag:s0] =	ssyncset.done $0x0  }
0xb9: {  	[sflag:s0] =	ssyncadd.s32 $0xFFFFF830  }
0xba: {  	_ =	swait.ge [sflag:s0], $0x7D0  }
0xbb: {  	[sflag:s0] =	ssyncset.done $0x0  }
0xbc: {  	[sflag:s0] =	ssyncadd.s32 $0xFFFFF830  }
0xbd: {  	_ =	swait.ge [sflag:s0], $0x7D0  }
0xbe: {  	[sflag:s0] =	ssyncset.done $0x0  }
0xbf: {  	[sflag:s0] =	ssyncadd.s32 $0xFFFFF830  }
0xc0: {  	_ =	swait.ge [sflag:s0], $0x7D0  }
0xc1: {  	[sflag:s0] =	ssyncset.done $0x0  }
0xc2: {  	[sflag:s0] =	ssyncadd.s32 $0xFFFFF830  }
0xc3: {  	s11 =	sadd.s32 $0x1, s11;
	_ =	swait.ge [sflag:s0], $0x7D0  }
0xc4: {  	p0 =	sne.s32 s11, s5;
	[sflag:s0] =	ssyncset.done $0x0  }
.Ltmp10:
0xc5: {  	[sflag:s0] =	ssyncadd.s32 $0xFFFFF830;
	(pc) =	sbr.rel @p0 .LBB2_1-.Ltmp10, $4  }
0xc6: {  	[hbm4b:s4+s1] =	stream.strided.scatter [tilespmem:s12], [sflag:$0x2], $0x4E80, s9, s1, $0x38;
	[tilespmem:$0x13A00] =	vst v63  }
0xc7: {  	_ =	swait.ge [sflag:s8], $0x4E80  }
0xc8: {  	[sflag:s8] =	ssyncset.done $0x0  }
0xc9: {  	[sflag:s8] =	ssyncadd.s32 $0xFFFFB180  }
0xca: {  	_ =	sfence.sel $0x180000  }
0xcb: {  	[bflag:$0x0] =	sbarrier.arrive $0xFFFF  }
0xcc: {  	_ =	strace $0x90000047  }
0xcd: {  	s0 =	stileid.u32;
	[bflag:$0x2] =	sbarrier.arrive $0xFFFF  }
0xce: {  	p0 =	sne.s32 s0, $0x0;
	s0 =	rddreg [dreg:$0x1]  }
0xcf: {  	s0 =	sadd.s32 @!p0 $0x100000, s0  }
0xd0: {  	[sflag:s0] =	ssyncadd.tile.s32 @!p0 $0x1;
	_ =	shalt  }
.Lfunc_end2:
_tile_overlayer_lowered:
.L_overlay_start_2:
0xd1: {  	(tag) =	ssettag $0x2  }
0xd2: {  	s0 =	rddreg [dreg:$0x0];
	s2 =	stileid.u32  }
0xd3: {  	s1 =	rddreg [dreg:$0x1];
	p0 =	sne.s32 s2, $0x0  }
0xd4: {  	s3 =	rddreg [dreg:$0x2];
	[bflag:$0x3] =	sbarrier.arrive $0xFFFF;
	s2 =	simm.s32 @!p0 $0x1C02  }
0xd5: {  	[timem:s3], [sflag:s2] =	dma.local @!p0 [hbm:s0], s1  }
0xd6: {  	s0 =	simm.s32 @!p0 $0x2  }
0xd7: {  	_ =	swait.ge @!p0 [sflag:s0], s1  }
0xd8: {  	s1 =	ssub.s32 @!p0 $0x0, s1;
	[sflag:s0] =	ssyncset.done @!p0 $0x0  }
0xd9: {  	[sflag:s0] =	ssyncadd.s32 @!p0 s1  }
0xda: {  	[bflag:$0x3] =	sbarrier.arrive $0xFFFF  }
0xdb: {  	_ =	shalt  }

</sc_bundles>
